<compile_context>
chip_gen: v7x
topology: tpu7x:2x2x1
jax: 0.10.2.dev20260603
libtpu: 0.0.44.dev20260713+nightly
codegen_flags: <defaults>
</compile_context>

<pallas_src>
import jax
import jax.numpy as jnp
from jax import lax
from jax.experimental import pallas as pl
from jax.experimental.pallas import tpu as pltpu
from jax.experimental.pallas import tpu_sc as plsc

N = 10000
POS = 3
F = 128
M = 16
H1 = 514
HC = 64
HN = 256
DX = 128
ACCW = 128
NC, NS = 2, 16
NW = NC * NS
NPAD = 10240
ZROWS = NPAD // NS
EBLK = 640
NBLK = 1000



def _sc_gather_body(epw, k, src_hbm, dst_hbm, xr_hbm, gj_hbm, gi_hbm,
                    idxj_v, idxi_v, rowsj_v, rowsi_v, semj, semi):
    wid = lax.axis_index("s") * NC + lax.axis_index("c")
    base = wid * epw

    def step(i, carry):
        off = base + i * k
        pltpu.sync_copy(src_hbm.at[pl.ds(off, k)], idxj_v)
        pltpu.sync_copy(dst_hbm.at[pl.ds(off, k)], idxi_v)
        cj = pltpu.async_copy(xr_hbm.at[idxj_v], rowsj_v, semj)
        ci = pltpu.async_copy(xr_hbm.at[idxi_v], rowsi_v, semi)
        cj.wait()
        pltpu.sync_copy(rowsj_v, gj_hbm.at[pl.ds(off, k)])
        ci.wait()
        pltpu.sync_copy(rowsi_v, gi_hbm.at[pl.ds(off, k)])
        return carry

    lax.fori_loop(0, epw // k, step, 0)



def _sc_scatter_body(epw, k, dst_hbm, ev_hbm, z_hbm, out_hbm,
                     idx_v, vals_v, acc_sh):
    cid = lax.axis_index("c")
    sid = lax.axis_index("s")
    wid = sid * NC + cid
    pltpu.sync_copy(z_hbm, acc_sh.at[pl.ds(sid * ZROWS, ZROWS)])
    plsc.subcore_barrier()
    base = wid * epw

    def step(i, carry):
        off = base + i * k
        pltpu.sync_copy(dst_hbm.at[pl.ds(off, k)], idx_v)
        pltpu.sync_copy(ev_hbm.at[pl.ds(off, k)], vals_v)
        pltpu.sync_copy(vals_v, acc_sh.at[idx_v], add=True)
        return carry

    lax.fori_loop(0, epw // k, step, 0)
    plsc.subcore_barrier()
    pltpu.sync_copy(acc_sh.at[pl.ds(sid * ZROWS, ZROWS)],
                    out_hbm.at[cid, pl.ds(sid * ZROWS, ZROWS)])



def _silu(v):
    return v / (1.0 + jnp.exp(-v))


def _edge_mlp_kernel(gi_ref, gj_ref, w1cat_ref, w1r_ref, b1_ref,
                     w2_ref, b2_ref, wc1_ref, bc1_ref, wc2_ref, bc2_ref,
                     cs_ref, out_ref):
    gi = gi_ref[...]
    gj = gj_ref[...]
    rel = gj[:, F // 2:F // 2 + 8] - gi[:, F // 2:F // 2 + 8]
    rel_dist = jnp.sum(rel * rel, axis=1, keepdims=True)
    u = jnp.concatenate(
        [jax.lax.bitcast_convert_type(gi[:, :F // 2], jnp.uint32),
         jax.lax.bitcast_convert_type(gj[:, :F // 2], jnp.uint32)], axis=1)
    fe = jax.lax.bitcast_convert_type(u << 16, jnp.float32)
    fo = jax.lax.bitcast_convert_type(u & jnp.uint32(0xFFFF0000), jnp.float32)
    fcat = jnp.concatenate([fe, fo], axis=1).astype(jnp.bfloat16)
    rd_bf = rel_dist.astype(jnp.bfloat16)
    ha = (jnp.dot(fcat, w1cat_ref[:, :512],
                  preferred_element_type=jnp.float32).astype(jnp.bfloat16)
          + (rd_bf * w1r_ref[:, :512] + b1_ref[:, :512]))
    hb = (jnp.dot(fcat, w1cat_ref[:, 512:],
                  preferred_element_type=jnp.float32).astype(jnp.bfloat16)
          + (rd_bf * w1r_ref[:, 512:] + b1_ref[:, 512:]))
    m = (jnp.dot(_silu(ha), w2_ref[:512], preferred_element_type=jnp.float32)
         + jnp.dot(_silu(hb), w2_ref[512:], preferred_element_type=jnp.float32)
         + b2_ref[...])
    m = _silu(m)
    mb = m.astype(jnp.bfloat16)
    c = (jnp.dot(mb, wc1_ref[...], preferred_element_type=jnp.float32)
         + bc1_ref[...]).astype(jnp.bfloat16)
    c = _silu(c)
    w = jnp.tanh(jnp.sum(c * wc2_ref[...], axis=1, keepdims=True)
                 + bc2_ref[...]).astype(jnp.float32)
    inv = (w * cs_ref[...]) * jax.lax.rsqrt(jnp.maximum(rel_dist, 1e-16))
    wvec = rel * inv
    pad = jnp.zeros((wvec.shape[0], ACCW - M - 8), jnp.float32)
    out_ref[...] = jnp.concatenate([m, wvec, pad], axis=1)



def _node_mlp_kernel(x_ref, a0_ref, a1_ref, a2_ref, a3_ref,
                     wn1a_ref, wn1b_ref, bn1_ref,
                     wn2_ref, bn2_ref, out_ref):
    xv = x_ref[...]
    feats = xv[:, POS:]
    a = (a0_ref[...] + a1_ref[...]) + (a2_ref[...] + a3_ref[...])
    m_i = a[:, :M]
    mhat = a[:, M:M + POS]
    h = (jnp.dot(feats, wn1a_ref[...], preferred_element_type=jnp.float32)
         + jnp.dot(m_i, wn1b_ref[...], preferred_element_type=jnp.float32)
         + bn1_ref[...])
    h = h * jax.nn.sigmoid(h)
    hid = jnp.dot(h, wn2_ref[...], preferred_element_type=jnp.float32) + bn2_ref[...]
    out_ref[...] = jnp.concatenate([xv[:, :POS] + mhat, feats + hid], axis=1)


def kernel(x, edge_index, W1, b1, W2, b2, Wc1, bc1, Wc2, bc2,
           Wn1, bn1, Wn2, bn2, coors_scale):
    E = edge_index.shape[1]
    nh = 2
    Eh = E // nh
    epw = Eh // NW
    k = 200
    ks = 200
    assert Eh % NW == 0 and epw % k == 0 and k % 8 == 0 and epw % ks == 0

    f32 = jnp.float32
    bf16 = jnp.bfloat16
    fbits = jax.lax.bitcast_convert_type(
        x[:, POS:].astype(bf16), jnp.uint16).astype(jnp.uint32)
    packed = jax.lax.bitcast_convert_type(
        fbits[:, 0::2] | (fbits[:, 1::2] << 16), f32)
    xr = jnp.concatenate(
        [packed, x[:, :POS], jnp.zeros((N, DX - POS - F // 2), f32)], axis=1)

    w1cat = jnp.concatenate(
        [W1[:F:2], W1[F:2 * F:2], W1[1:F:2], W1[F + 1:2 * F:2]],
        axis=0).astype(bf16)
    w1r = W1[2 * F:2 * F + 1].astype(bf16)

    mesh = plsc.VectorSubcoreMesh(core_axis_name="c", subcore_axis_name="s")
    zrows = jnp.zeros((ZROWS, ACCW), f32)

    def gather_half(src, dst):
        return pl.kernel(
            lambda *refs: _sc_gather_body(epw, k, *refs),
            out_type=[jax.ShapeDtypeStruct((Eh, DX), f32),
                      jax.ShapeDtypeStruct((Eh, DX), f32)],
            mesh=mesh,
            scratch_types=[pltpu.VMEM((k,), jnp.int32),
                           pltpu.VMEM((k,), jnp.int32),
                           pltpu.VMEM((k, DX), f32),
                           pltpu.VMEM((k, DX), f32),
                           pltpu.SemaphoreType.DMA,
                           pltpu.SemaphoreType.DMA],
        )(src, dst, xr)

    def edge_mlp_half(gi, gj):
        return pl.pallas_call(
            _edge_mlp_kernel,
            grid=(Eh // EBLK,),
            in_specs=[
                pl.BlockSpec((EBLK, DX), lambda i: (i, 0)),
                pl.BlockSpec((EBLK, DX), lambda i: (i, 0)),
                pl.BlockSpec((2 * F, H1), lambda i: (0, 0)),
                pl.BlockSpec((1, H1), lambda i: (0, 0)),
                pl.BlockSpec((1, H1), lambda i: (0, 0)),
                pl.BlockSpec((H1, M), lambda i: (0, 0)),
                pl.BlockSpec((1, M), lambda i: (0, 0)),
                pl.BlockSpec((M, HC), lambda i: (0, 0)),
                pl.BlockSpec((1, HC), lambda i: (0, 0)),
                pl.BlockSpec((1, HC), lambda i: (0, 0)),
                pl.BlockSpec((1, 1), lambda i: (0, 0)),
                pl.BlockSpec((1, 1), lambda i: (0, 0)),
            ],
            out_specs=pl.BlockSpec((EBLK, ACCW), lambda i: (i, 0)),
            out_shape=jax.ShapeDtypeStruct((Eh, ACCW), f32),
        )(gi, gj, w1cat, w1r, b1[None].astype(bf16), W2.astype(bf16),
          b2[None], Wc1.astype(bf16), bc1[None],
          Wc2[:, 0][None], bc2[None], coors_scale[None])

    def scatter_half(dst, ev):
        return pl.kernel(
            lambda *refs: _sc_scatter_body(epw, ks, *refs),
            out_type=jax.ShapeDtypeStruct((NC, NPAD, ACCW), f32),
            mesh=mesh,
            scratch_types=[pltpu.VMEM((ks,), jnp.int32),
                           pltpu.VMEM((ks, ACCW), f32),
                           pltpu.VMEM_SHARED((NPAD, ACCW), f32)],
        )(dst, ev, zrows)

    srcs = [edge_index[0, h * Eh:(h + 1) * Eh] for h in range(nh)]
    dsts = [edge_index[1, h * Eh:(h + 1) * Eh] for h in range(nh)]
    gs = [gather_half(srcs[h], dsts[h]) for h in range(nh)]
    evs = [edge_mlp_half(gs[h][1], gs[h][0]) for h in range(nh)]
    ps = [scatter_half(dsts[h], evs[h]) for h in range(nh)]

    out = pl.pallas_call(
        _node_mlp_kernel,
        grid=(N // NBLK,),
        in_specs=[
            pl.BlockSpec((NBLK, POS + F), lambda i: (i, 0)),
            pl.BlockSpec((NBLK, ACCW), lambda i: (i, 0)),
            pl.BlockSpec((NBLK, ACCW), lambda i: (i, 0)),
            pl.BlockSpec((NBLK, ACCW), lambda i: (i, 0)),
            pl.BlockSpec((NBLK, ACCW), lambda i: (i, 0)),
            pl.BlockSpec((F, HN), lambda i: (0, 0)),
            pl.BlockSpec((M, HN), lambda i: (0, 0)),
            pl.BlockSpec((1, HN), lambda i: (0, 0)),
            pl.BlockSpec((HN, F), lambda i: (0, 0)),
            pl.BlockSpec((1, F), lambda i: (0, 0)),
        ],
        out_specs=pl.BlockSpec((NBLK, POS + F), lambda i: (i, 0)),
        out_shape=jax.ShapeDtypeStruct((N, POS + F), f32),
    )(x, ps[0][0, :N], ps[0][1, :N], ps[1][0, :N], ps[1][1, :N],
      Wn1[:F], Wn1[F:], bn1[None], Wn2, bn2[None])
    return out

# --- scband reference (transcript-rebuilt; emitter-appended) ---
"""Pipeline reference for scband-egnn-sparse-network-8546984919108 (READ-ONLY COPY).

The authoritative reference and input builder live on the scoring server;
editing this copy changes nothing except your own understanding.
"""

import jax, jax.numpy as jnp
import numpy as np

N = 10000
E = 320000
POS = 3
F = 128
M = 16
EIN = POS * 0 + 1 + 2 * F  # fourier=0, edge_attr_dim=0 -> 257


def silu(v):
    return v * jax.nn.sigmoid(v)


def setup_inputs(seed: int = 0) -> dict:
    key = jax.random.key(seed)
    ks = jax.random.split(key, 20)
    x = jax.random.normal(ks[0], (N, POS + F), dtype=jnp.float32)
    edge_index = jax.random.randint(ks[1], (2, E), 0, N).astype(jnp.int32)

    def xavier(k, fan_in, fan_out):
        std = float(np.sqrt(2.0 / (fan_in + fan_out)))
        return jax.random.normal(k, (fan_in, fan_out), dtype=jnp.float32) * std

    # edge_mlp: Linear(257, 514) -> SiLU -> Linear(514, 16) -> SiLU
    W1 = xavier(ks[2], EIN, EIN * 2); b1 = jnp.zeros((EIN * 2,), jnp.float32)
    W2 = xavier(ks[3], EIN * 2, M);   b2 = jnp.zeros((M,), jnp.float32)
    # coors_mlp: Linear(16, 64) -> SiLU -> Linear(64, 1) -> Tanh
    Wc1 = xavier(ks[4], M, M * 4); bc1 = jnp.zeros((M * 4,), jnp.float32)
    Wc2 = xavier(ks[5], M * 4, 1); bc2 = jnp.zeros((1,), jnp.float32)
    # node_mlp: Linear(128+16, 256) -> SiLU -> Linear(256, 128)
    Wn1 = xavier(ks[6], F + M, F * 2); bn1 = jnp.zeros((F * 2,), jnp.float32)
    Wn2 = xavier(ks[7], F * 2, F);     bn2 = jnp.zeros((F,), jnp.float32)
    coors_scale = jnp.full((1,), 0.01, dtype=jnp.float32)  # CoorsNorm scale param
    return {
        "x": x, "edge_index": edge_index,
        "W1": W1, "b1": b1, "W2": W2, "b2": b2,
        "Wc1": Wc1, "bc1": bc1, "Wc2": Wc2, "bc2": bc2,
        "Wn1": Wn1, "bn1": bn1, "Wn2": Wn2, "bn2": bn2,
        "coors_scale": coors_scale,
    }


def reference(x, edge_index, W1, b1, W2, b2, Wc1, bc1, Wc2, bc2, Wn1, bn1, Wn2, bn2, coors_scale):
    coors = x[:, :POS]
    feats = x[:, POS:]
    src = edge_index[0]  # j (source, PyG flow source_to_target)
    dst = edge_index[1]  # i (target, aggregation index)
    rel_coors = jnp.take(coors, src, axis=0) - jnp.take(coors, dst, axis=0)
    rel_dist = jnp.sum(rel_coors ** 2, axis=-1, keepdims=True)
    # fourier_features == 0, edge_attr is None -> edge_attr_feats = rel_dist
    x_i = jnp.take(feats, dst, axis=0)
    x_j = jnp.take(feats, src, axis=0)
    edge_in = jnp.concatenate([x_i, x_j, rel_dist], axis=-1)
    m_ij = silu(silu(edge_in @ W1 + b1) @ W2 + b2)
    # update_coors
    coor_wij = jnp.tanh(silu(m_ij @ Wc1 + bc1) @ Wc2 + bc2)
    nrm = jnp.linalg.norm(rel_coors, axis=-1, keepdims=True)
    rel_n = rel_coors / jnp.maximum(nrm, 1e-8) * coors_scale
    mhat_i = jax.ops.segment_sum(coor_wij * rel_n, dst, num_segments=N)
    coors_out = coors + mhat_i
    # update_feats (soft_edge=0, node_norm=None)
    m_i = jax.ops.segment_sum(m_ij, dst, num_segments=N)
    node_in = jnp.concatenate([feats, m_i], axis=-1)
    hidden = silu(node_in @ Wn1 + bn1) @ Wn2 + bn2
    hidden_out = feats + hidden
    return jnp.concatenate([coors_out, hidden_out], axis=-1)

if __name__ == "__main__":
    import jax
    _d = setup_inputs()
    print(jax.jit(kernel)(*tuple(_d.values())))

</pallas_src>

<mosaic_0001>
#map = affine_map<(d0, d1) -> (0)>
#map1 = affine_map<(d0, d1) -> (0, 0)>
#map2 = affine_map<(d0, d1) -> (0, 0, 0)>
module attributes {stable_mosaic.version = 14 : i64} {
  func.func @_lambda_(%arg0: i32, %arg1: i32, %arg2: memref<160000xi32, #tpu.memory_space<hbm>>, %arg3: memref<160000x128xf32, #tpu.memory_space<hbm>>, %arg4: memref<640x128xf32, #tpu.memory_space<hbm>>, %arg5: memref<2x10240x128xf32, #tpu.memory_space<hbm>>, %arg6: memref<200xi32, #tpu.memory_space<vmem>>, %arg7: memref<200x128xf32, #tpu.memory_space<vmem>>, %arg8: memref<10240x128xf32, #tpu.memory_space<vmem_shared>>) attributes {dimension_semantics = [#tpu.dimension_semantics<core_parallel>, #tpu.dimension_semantics<subcore_parallel>], iteration_bounds = array<i64: 2, 16>, scalar_prefetch = 0 : i64, scratch_operands = 3 : i64, tpu.core_type = #tpu.core_type<sc_vector_subcore>, window_params = [{transform_indices = #map}, {transform_indices = #map1}, {transform_indices = #map1}, {transform_indices = #map2}]} {
    %mul3A = arith.constant 2 : i32
    %mul3A_0 = arith.muli %arg1, %mul3A : i32
    %add3A = arith.addi %mul3A_0, %arg0 : i32
    %mul3A_1 = arith.constant 640 : i32
    %mul3A_2 = arith.muli %arg1, %mul3A_1 : i32
    "tpu.region"() ({
      %run_scoped3A = tpu.sem_alloc : memref<!tpu.dma_semaphore, #tpu.memory_space<semaphore_mem>>
      %dma_start3A = arith.constant 0 : i32
      %dma_start3A_15 = tpu.memref_slice %arg8[%mul3A_2, %dma_start3A] : memref<10240x128xf32, #tpu.memory_space<vmem_shared>> -> memref<640x128xf32, #tpu.memory_space<vmem_shared>>
      tpu.enqueue_dma source(%arg4 : memref<640x128xf32, #tpu.memory_space<hbm>>) target(%dma_start3A_15 : memref<640x128xf32, #tpu.memory_space<vmem_shared>>) target_semaphore(%run_scoped3A : memref<!tpu.dma_semaphore, #tpu.memory_space<semaphore_mem>>)
      %dma_wait3A = arith.constant 0 : i32
      %dma_wait3A_16 = tpu.memref_slice %arg8[%mul3A_2, %dma_wait3A] : memref<10240x128xf32, #tpu.memory_space<vmem_shared>> -> memref<640x128xf32, #tpu.memory_space<vmem_shared>>
      tpu.wait_dma2 semaphore(%run_scoped3A : memref<!tpu.dma_semaphore, #tpu.memory_space<semaphore_mem>>) src(%arg4 : memref<640x128xf32, #tpu.memory_space<hbm>>) dst(%dma_wait3A_16 : memref<640x128xf32, #tpu.memory_space<vmem_shared>>)
      tpu.yield
    }) : () -> ()
    %barrier3A = arith.constant 0 : index
    tpu.barrier barrier_id(%barrier3A)
    %mul3A_3 = arith.constant 5000 : i32
    %mul3A_4 = arith.muli %add3A, %mul3A_3 : i32
    %scan3A = arith.constant 0 : i32
    %scan3A_5 = arith.constant 0 : i32
    %scan3A_6 = arith.constant 25 : i32
    %scan3A_7 = arith.addi %scan3A_5, %scan3A_6 : i32
    %scan3A_8 = arith.constant 1 : i32
    scf.for %scan3A_15 = %scan3A_5 to %scan3A_7 step %scan3A_8  : i32 {
      %mul3A_16 = arith.constant 200 : i32
      %mul3A_17 = arith.muli %scan3A_15, %mul3A_16 : i32
      %add3A_18 = arith.addi %mul3A_4, %mul3A_17 : i32
      "tpu.region"() ({
        %run_scoped3A = tpu.sem_alloc : memref<!tpu.dma_semaphore, #tpu.memory_space<semaphore_mem>>
        %dma_start3A = tpu.memref_slice %arg2[%add3A_18] : memref<160000xi32, #tpu.memory_space<hbm>> -> memref<200xi32, #tpu.memory_space<hbm>>
        %dma_start3A_19 = tpu.memref_slice %arg2[%add3A_18] : memref<160000xi32, #tpu.memory_space<hbm>> -> memref<200xi32, #tpu.memory_space<hbm>>
        tpu.enqueue_dma source(%dma_start3A_19 : memref<200xi32, #tpu.memory_space<hbm>>) target(%arg6 : memref<200xi32, #tpu.memory_space<vmem>>) target_semaphore(%run_scoped3A : memref<!tpu.dma_semaphore, #tpu.memory_space<semaphore_mem>>)
        %dma_wait3A = tpu.memref_slice %arg2[%add3A_18] : memref<160000xi32, #tpu.memory_space<hbm>> -> memref<200xi32, #tpu.memory_space<hbm>>
        %dma_wait3A_20 = tpu.memref_slice %arg2[%add3A_18] : memref<160000xi32, #tpu.memory_space<hbm>> -> memref<200xi32, #tpu.memory_space<hbm>>
        tpu.wait_dma2 semaphore(%run_scoped3A : memref<!tpu.dma_semaphore, #tpu.memory_space<semaphore_mem>>) src(%dma_wait3A_20 : memref<200xi32, #tpu.memory_space<hbm>>) dst(%arg6 : memref<200xi32, #tpu.memory_space<vmem>>)
        tpu.yield
      }) : () -> ()
      "tpu.region"() ({
        %run_scoped3A = tpu.sem_alloc : memref<!tpu.dma_semaphore, #tpu.memory_space<semaphore_mem>>
        %dma_start3A = arith.constant 0 : i32
        %dma_start3A_19 = tpu.memref_slice %arg3[%add3A_18, %dma_start3A] : memref<160000x128xf32, #tpu.memory_space<hbm>> -> memref<200x128xf32, #tpu.memory_space<hbm>>
        %dma_start3A_20 = arith.constant 0 : i32
        %dma_start3A_21 = tpu.memref_slice %arg3[%add3A_18, %dma_start3A_20] : memref<160000x128xf32, #tpu.memory_space<hbm>> -> memref<200x128xf32, #tpu.memory_space<hbm>>
        tpu.enqueue_dma source(%dma_start3A_21 : memref<200x128xf32, #tpu.memory_space<hbm>>) target(%arg7 : memref<200x128xf32, #tpu.memory_space<vmem>>) target_semaphore(%run_scoped3A : memref<!tpu.dma_semaphore, #tpu.memory_space<semaphore_mem>>)
        %dma_wait3A = arith.constant 0 : i32
        %dma_wait3A_22 = tpu.memref_slice %arg3[%add3A_18, %dma_wait3A] : memref<160000x128xf32, #tpu.memory_space<hbm>> -> memref<200x128xf32, #tpu.memory_space<hbm>>
        %dma_wait3A_23 = arith.constant 0 : i32
        %dma_wait3A_24 = tpu.memref_slice %arg3[%add3A_18, %dma_wait3A_23] : memref<160000x128xf32, #tpu.memory_space<hbm>> -> memref<200x128xf32, #tpu.memory_space<hbm>>
        tpu.wait_dma2 semaphore(%run_scoped3A : memref<!tpu.dma_semaphore, #tpu.memory_space<semaphore_mem>>) src(%dma_wait3A_24 : memref<200x128xf32, #tpu.memory_space<hbm>>) dst(%arg7 : memref<200x128xf32, #tpu.memory_space<vmem>>)
        tpu.yield
      }) : () -> ()
      "tpu.region"() ({
        %run_scoped3A = tpu.sem_alloc : memref<!tpu.dma_semaphore, #tpu.memory_space<semaphore_mem>>
        %dma_start3A = arith.constant 0 : i32
        %dma_start3A_19 = arith.constant 0 : i32
        %dma_start3A_20 = tpu.memref_slice %arg8[%dma_start3A, %dma_start3A_19] : memref<10240x128xf32, #tpu.memory_space<vmem_shared>> -> memref<10240x128xf32, #tpu.memory_space<vmem_shared>>
        tpu.enqueue_indirect_dma source(%arg7 : memref<200x128xf32, #tpu.memory_space<vmem>>) target(%dma_start3A_20 : memref<10240x128xf32, #tpu.memory_space<vmem_shared>>) offsets(%arg6 : memref<200xi32, #tpu.memory_space<vmem>>) semaphore(%run_scoped3A : memref<!tpu.dma_semaphore, #tpu.memory_space<semaphore_mem>>) {add = true}
        %dma_wait3A = arith.constant 0 : i32
        %dma_wait3A_21 = arith.constant 0 : i32
        %dma_wait3A_22 = tpu.memref_slice %arg8[%dma_wait3A, %dma_wait3A_21] : memref<10240x128xf32, #tpu.memory_space<vmem_shared>> -> memref<10240x128xf32, #tpu.memory_space<vmem_shared>>
        tpu.wait_indirect_dma semaphore(%run_scoped3A : memref<!tpu.dma_semaphore, #tpu.memory_space<semaphore_mem>>) src(%arg7 : memref<200x128xf32, #tpu.memory_space<vmem>>) dst(%dma_wait3A_22 : memref<10240x128xf32, #tpu.memory_space<vmem_shared>>)
        tpu.yield
      }) : () -> ()
    }
    %scan3A_9 = arith.constant 25 : i32
    %barrier3A_10 = arith.constant 0 : index
    tpu.barrier barrier_id(%barrier3A_10)
    %mul3A_11 = arith.constant 640 : i32
    %mul3A_12 = arith.muli %arg1, %mul3A_11 : i32
    %mul3A_13 = arith.constant 640 : i32
    %mul3A_14 = arith.muli %arg1, %mul3A_13 : i32
    "tpu.region"() ({
      %run_scoped3A = tpu.sem_alloc : memref<!tpu.dma_semaphore, #tpu.memory_space<semaphore_mem>>
      %dma_start3A = arith.constant 0 : i32
      %dma_start3A_15 = tpu.memref_slice %arg5[%arg0, %mul3A_14, %dma_start3A] : memref<2x10240x128xf32, #tpu.memory_space<hbm>> -> memref<1x640x128xf32, #tpu.memory_space<hbm>>
      %dma_start3A_16 = tpu.memref_squeeze %dma_start3A_15 : memref<1x640x128xf32, #tpu.memory_space<hbm>> -> memref<640x128xf32, #tpu.memory_space<hbm>>
      %dma_start3A_17 = arith.constant 0 : i32
      %dma_start3A_18 = tpu.memref_slice %arg8[%mul3A_12, %dma_start3A_17] : memref<10240x128xf32, #tpu.memory_space<vmem_shared>> -> memref<640x128xf32, #tpu.memory_space<vmem_shared>>
      tpu.enqueue_dma source(%dma_start3A_18 : memref<640x128xf32, #tpu.memory_space<vmem_shared>>) target(%dma_start3A_16 : memref<640x128xf32, #tpu.memory_space<hbm>>) target_semaphore(%run_scoped3A : memref<!tpu.dma_semaphore, #tpu.memory_space<semaphore_mem>>)
      %dma_wait3A = arith.constant 0 : i32
      %dma_wait3A_19 = tpu.memref_slice %arg5[%arg0, %mul3A_14, %dma_wait3A] : memref<2x10240x128xf32, #tpu.memory_space<hbm>> -> memref<1x640x128xf32, #tpu.memory_space<hbm>>
      %dma_wait3A_20 = tpu.memref_squeeze %dma_wait3A_19 : memref<1x640x128xf32, #tpu.memory_space<hbm>> -> memref<640x128xf32, #tpu.memory_space<hbm>>
      %dma_wait3A_21 = arith.constant 0 : i32
      %dma_wait3A_22 = tpu.memref_slice %arg8[%mul3A_12, %dma_wait3A_21] : memref<10240x128xf32, #tpu.memory_space<vmem_shared>> -> memref<640x128xf32, #tpu.memory_space<vmem_shared>>
      tpu.wait_dma2 semaphore(%run_scoped3A : memref<!tpu.dma_semaphore, #tpu.memory_space<semaphore_mem>>) src(%dma_wait3A_22 : memref<640x128xf32, #tpu.memory_space<vmem_shared>>) dst(%dma_wait3A_20 : memref<640x128xf32, #tpu.memory_space<hbm>>)
      tpu.yield
    }) : () -> ()
    return
  }
}

#map = affine_map<(d0, d1) -> (0)>
#map1 = affine_map<(d0, d1) -> (0, 0)>
module attributes {stable_mosaic.version = 14 : i64} {
  func.func @_lambda_(%arg0: i32, %arg1: i32, %arg2: memref<160000xi32, #tpu.memory_space<hbm>>, %arg3: memref<160000xi32, #tpu.memory_space<hbm>>, %arg4: memref<10000x128xf32, #tpu.memory_space<hbm>>, %arg5: memref<160000x128xf32, #tpu.memory_space<hbm>>, %arg6: memref<160000x128xf32, #tpu.memory_space<hbm>>, %arg7: memref<200xi32, #tpu.memory_space<vmem>>, %arg8: memref<200xi32, #tpu.memory_space<vmem>>, %arg9: memref<200x128xf32, #tpu.memory_space<vmem>>, %arg10: memref<200x128xf32, #tpu.memory_space<vmem>>, %arg11: memref<!tpu.dma_semaphore, #tpu.memory_space<semaphore_mem>>, %arg12: memref<!tpu.dma_semaphore, #tpu.memory_space<semaphore_mem>>) attributes {dimension_semantics = [#tpu.dimension_semantics<core_parallel>, #tpu.dimension_semantics<subcore_parallel>], iteration_bounds = array<i64: 2, 16>, scalar_prefetch = 0 : i64, scratch_operands = 6 : i64, tpu.core_type = #tpu.core_type<sc_vector_subcore>, window_params = [{transform_indices = #map}, {transform_indices = #map}, {transform_indices = #map1}, {transform_indices = #map1}, {transform_indices = #map1}]} {
    %mul3A = arith.constant 2 : i32
    %mul3A_0 = arith.muli %arg1, %mul3A : i32
    %add3A = arith.addi %mul3A_0, %arg0 : i32
    %mul3A_1 = arith.constant 5000 : i32
    %mul3A_2 = arith.muli %add3A, %mul3A_1 : i32
    %scan3A = arith.constant 0 : i32
    %scan3A_3 = arith.constant 0 : i32
    %scan3A_4 = arith.constant 25 : i32
    %scan3A_5 = arith.addi %scan3A_3, %scan3A_4 : i32
    %scan3A_6 = arith.constant 1 : i32
    scf.for %scan3A_8 = %scan3A_3 to %scan3A_5 step %scan3A_6  : i32 {
      %mul3A_9 = arith.constant 200 : i32
      %mul3A_10 = arith.muli %scan3A_8, %mul3A_9 : i32
      %add3A_11 = arith.addi %mul3A_2, %mul3A_10 : i32
      "tpu.region"() ({
        %run_scoped3A = tpu.sem_alloc : memref<!tpu.dma_semaphore, #tpu.memory_space<semaphore_mem>>
        %dma_start3A_22 = tpu.memref_slice %arg2[%add3A_11] : memref<160000xi32, #tpu.memory_space<hbm>> -> memref<200xi32, #tpu.memory_space<hbm>>
        %dma_start3A_23 = tpu.memref_slice %arg2[%add3A_11] : memref<160000xi32, #tpu.memory_space<hbm>> -> memref<200xi32, #tpu.memory_space<hbm>>
        tpu.enqueue_dma source(%dma_start3A_23 : memref<200xi32, #tpu.memory_space<hbm>>) target(%arg7 : memref<200xi32, #tpu.memory_space<vmem>>) target_semaphore(%run_scoped3A : memref<!tpu.dma_semaphore, #tpu.memory_space<semaphore_mem>>)
        %dma_wait3A_24 = tpu.memref_slice %arg2[%add3A_11] : memref<160000xi32, #tpu.memory_space<hbm>> -> memref<200xi32, #tpu.memory_space<hbm>>
        %dma_wait3A_25 = tpu.memref_slice %arg2[%add3A_11] : memref<160000xi32, #tpu.memory_space<hbm>> -> memref<200xi32, #tpu.memory_space<hbm>>
        tpu.wait_dma2 semaphore(%run_scoped3A : memref<!tpu.dma_semaphore, #tpu.memory_space<semaphore_mem>>) src(%dma_wait3A_25 : memref<200xi32, #tpu.memory_space<hbm>>) dst(%arg7 : memref<200xi32, #tpu.memory_space<vmem>>)
        tpu.yield
      }) : () -> ()
      "tpu.region"() ({
        %run_scoped3A = tpu.sem_alloc : memref<!tpu.dma_semaphore, #tpu.memory_space<semaphore_mem>>
        %dma_start3A_22 = tpu.memref_slice %arg3[%add3A_11] : memref<160000xi32, #tpu.memory_space<hbm>> -> memref<200xi32, #tpu.memory_space<hbm>>
        %dma_start3A_23 = tpu.memref_slice %arg3[%add3A_11] : memref<160000xi32, #tpu.memory_space<hbm>> -> memref<200xi32, #tpu.memory_space<hbm>>
        tpu.enqueue_dma source(%dma_start3A_23 : memref<200xi32, #tpu.memory_space<hbm>>) target(%arg8 : memref<200xi32, #tpu.memory_space<vmem>>) target_semaphore(%run_scoped3A : memref<!tpu.dma_semaphore, #tpu.memory_space<semaphore_mem>>)
        %dma_wait3A_24 = tpu.memref_slice %arg3[%add3A_11] : memref<160000xi32, #tpu.memory_space<hbm>> -> memref<200xi32, #tpu.memory_space<hbm>>
        %dma_wait3A_25 = tpu.memref_slice %arg3[%add3A_11] : memref<160000xi32, #tpu.memory_space<hbm>> -> memref<200xi32, #tpu.memory_space<hbm>>
        tpu.wait_dma2 semaphore(%run_scoped3A : memref<!tpu.dma_semaphore, #tpu.memory_space<semaphore_mem>>) src(%dma_wait3A_25 : memref<200xi32, #tpu.memory_space<hbm>>) dst(%arg8 : memref<200xi32, #tpu.memory_space<vmem>>)
        tpu.yield
      }) : () -> ()
      %dma_start3A = arith.constant 0 : i32
      %dma_start3A_12 = arith.constant 0 : i32
      %dma_start3A_13 = tpu.memref_slice %arg4[%dma_start3A, %dma_start3A_12] : memref<10000x128xf32, #tpu.memory_space<hbm>> -> memref<10000x128xf32, #tpu.memory_space<hbm>>
      tpu.enqueue_indirect_dma source(%dma_start3A_13 : memref<10000x128xf32, #tpu.memory_space<hbm>>) target(%arg9 : memref<200x128xf32, #tpu.memory_space<vmem>>) offsets(%arg7 : memref<200xi32, #tpu.memory_space<vmem>>) semaphore(%arg11 : memref<!tpu.dma_semaphore, #tpu.memory_space<semaphore_mem>>)
      %dma_start3A_14 = arith.constant 0 : i32
      %dma_start3A_15 = arith.constant 0 : i32
      %dma_start3A_16 = tpu.memref_slice %arg4[%dma_start3A_14, %dma_start3A_15] : memref<10000x128xf32, #tpu.memory_space<hbm>> -> memref<10000x128xf32, #tpu.memory_space<hbm>>
      tpu.enqueue_indirect_dma source(%dma_start3A_16 : memref<10000x128xf32, #tpu.memory_space<hbm>>) target(%arg10 : memref<200x128xf32, #tpu.memory_space<vmem>>) offsets(%arg8 : memref<200xi32, #tpu.memory_space<vmem>>) semaphore(%arg12 : memref<!tpu.dma_semaphore, #tpu.memory_space<semaphore_mem>>)
      %dma_wait3A = arith.constant 0 : i32
      %dma_wait3A_17 = arith.constant 0 : i32
      %dma_wait3A_18 = tpu.memref_slice %arg4[%dma_wait3A, %dma_wait3A_17] : memref<10000x128xf32, #tpu.memory_space<hbm>> -> memref<10000x128xf32, #tpu.memory_space<hbm>>
      tpu.wait_indirect_dma semaphore(%arg11 : memref<!tpu.dma_semaphore, #tpu.memory_space<semaphore_mem>>) src(%dma_wait3A_18 : memref<10000x128xf32, #tpu.memory_space<hbm>>) dst(%arg9 : memref<200x128xf32, #tpu.memory_space<vmem>>)
      "tpu.region"() ({
        %run_scoped3A = tpu.sem_alloc : memref<!tpu.dma_semaphore, #tpu.memory_space<semaphore_mem>>
        %dma_start3A_22 = arith.constant 0 : i32
        %dma_start3A_23 = tpu.memref_slice %arg5[%add3A_11, %dma_start3A_22] : memref<160000x128xf32, #tpu.memory_space<hbm>> -> memref<200x128xf32, #tpu.memory_space<hbm>>
        %dma_start3A_24 = arith.constant 0 : i32
        %dma_start3A_25 = tpu.memref_slice %arg5[%add3A_11, %dma_start3A_24] : memref<160000x128xf32, #tpu.memory_space<hbm>> -> memref<200x128xf32, #tpu.memory_space<hbm>>
        tpu.enqueue_dma source(%arg9 : memref<200x128xf32, #tpu.memory_space<vmem>>) target(%dma_start3A_25 : memref<200x128xf32, #tpu.memory_space<hbm>>) target_semaphore(%run_scoped3A : memref<!tpu.dma_semaphore, #tpu.memory_space<semaphore_mem>>)
        %dma_wait3A_26 = arith.constant 0 : i32
        %dma_wait3A_27 = tpu.memref_slice %arg5[%add3A_11, %dma_wait3A_26] : memref<160000x128xf32, #tpu.memory_space<hbm>> -> memref<200x128xf32, #tpu.memory_space<hbm>>
        %dma_wait3A_28 = arith.constant 0 : i32
        %dma_wait3A_29 = tpu.memref_slice %arg5[%add3A_11, %dma_wait3A_28] : memref<160000x128xf32, #tpu.memory_space<hbm>> -> memref<200x128xf32, #tpu.memory_space<hbm>>
        tpu.wait_dma2 semaphore(%run_scoped3A : memref<!tpu.dma_semaphore, #tpu.memory_space<semaphore_mem>>) src(%arg9 : memref<200x128xf32, #tpu.memory_space<vmem>>) dst(%dma_wait3A_29 : memref<200x128xf32, #tpu.memory_space<hbm>>)
        tpu.yield
      }) : () -> ()
      %dma_wait3A_19 = arith.constant 0 : i32
      %dma_wait3A_20 = arith.constant 0 : i32
      %dma_wait3A_21 = tpu.memref_slice %arg4[%dma_wait3A_19, %dma_wait3A_20] : memref<10000x128xf32, #tpu.memory_space<hbm>> -> memref<10000x128xf32, #tpu.memory_space<hbm>>
      tpu.wait_indirect_dma semaphore(%arg12 : memref<!tpu.dma_semaphore, #tpu.memory_space<semaphore_mem>>) src(%dma_wait3A_21 : memref<10000x128xf32, #tpu.memory_space<hbm>>) dst(%arg10 : memref<200x128xf32, #tpu.memory_space<vmem>>)
      "tpu.region"() ({
        %run_scoped3A = tpu.sem_alloc : memref<!tpu.dma_semaphore, #tpu.memory_space<semaphore_mem>>
        %dma_start3A_22 = arith.constant 0 : i32
        %dma_start3A_23 = tpu.memref_slice %arg6[%add3A_11, %dma_start3A_22] : memref<160000x128xf32, #tpu.memory_space<hbm>> -> memref<200x128xf32, #tpu.memory_space<hbm>>
        %dma_start3A_24 = arith.constant 0 : i32
        %dma_start3A_25 = tpu.memref_slice %arg6[%add3A_11, %dma_start3A_24] : memref<160000x128xf32, #tpu.memory_space<hbm>> -> memref<200x128xf32, #tpu.memory_space<hbm>>
        tpu.enqueue_dma source(%arg10 : memref<200x128xf32, #tpu.memory_space<vmem>>) target(%dma_start3A_25 : memref<200x128xf32, #tpu.memory_space<hbm>>) target_semaphore(%run_scoped3A : memref<!tpu.dma_semaphore, #tpu.memory_space<semaphore_mem>>)
        %dma_wait3A_26 = arith.constant 0 : i32
        %dma_wait3A_27 = tpu.memref_slice %arg6[%add3A_11, %dma_wait3A_26] : memref<160000x128xf32, #tpu.memory_space<hbm>> -> memref<200x128xf32, #tpu.memory_space<hbm>>
        %dma_wait3A_28 = arith.constant 0 : i32
        %dma_wait3A_29 = tpu.memref_slice %arg6[%add3A_11, %dma_wait3A_28] : memref<160000x128xf32, #tpu.memory_space<hbm>> -> memref<200x128xf32, #tpu.memory_space<hbm>>
        tpu.wait_dma2 semaphore(%run_scoped3A : memref<!tpu.dma_semaphore, #tpu.memory_space<semaphore_mem>>) src(%arg10 : memref<200x128xf32, #tpu.memory_space<vmem>>) dst(%dma_wait3A_29 : memref<200x128xf32, #tpu.memory_space<hbm>>)
        tpu.yield
      }) : () -> ()
    }
    %scan3A_7 = arith.constant 25 : i32
    return
  }
}

#map = affine_map<(d0, d1) -> (0)>
#map1 = affine_map<(d0, d1) -> (0, 0)>
#map2 = affine_map<(d0, d1) -> (0, 0, 0)>
module attributes {stable_mosaic.version = 14 : i64} {
  func.func @_lambda_(%arg0: i32, %arg1: i32, %arg2: memref<160000xi32, #tpu.memory_space<hbm>>, %arg3: memref<160000x128xf32, #tpu.memory_space<hbm>>, %arg4: memref<640x128xf32, #tpu.memory_space<hbm>>, %arg5: memref<2x10240x128xf32, #tpu.memory_space<hbm>>, %arg6: memref<200xi32, #tpu.memory_space<vmem>>, %arg7: memref<200x128xf32, #tpu.memory_space<vmem>>, %arg8: memref<10240x128xf32, #tpu.memory_space<vmem_shared>>) attributes {dimension_semantics = [#tpu.dimension_semantics<core_parallel>, #tpu.dimension_semantics<subcore_parallel>], iteration_bounds = array<i64: 2, 16>, scalar_prefetch = 0 : i64, scratch_operands = 3 : i64, tpu.core_type = #tpu.core_type<sc_vector_subcore>, window_params = [{transform_indices = #map}, {transform_indices = #map1}, {transform_indices = #map1}, {transform_indices = #map2}]} {
    %mul3A = arith.constant 2 : i32
    %mul3A_0 = arith.muli %arg1, %mul3A : i32
    %add3A = arith.addi %mul3A_0, %arg0 : i32
    %mul3A_1 = arith.constant 640 : i32
    %mul3A_2 = arith.muli %arg1, %mul3A_1 : i32
    "tpu.region"() ({
      %run_scoped3A = tpu.sem_alloc : memref<!tpu.dma_semaphore, #tpu.memory_space<semaphore_mem>>
      %dma_start3A = arith.constant 0 : i32
      %dma_start3A_15 = tpu.memref_slice %arg8[%mul3A_2, %dma_start3A] : memref<10240x128xf32, #tpu.memory_space<vmem_shared>> -> memref<640x128xf32, #tpu.memory_space<vmem_shared>>
      tpu.enqueue_dma source(%arg4 : memref<640x128xf32, #tpu.memory_space<hbm>>) target(%dma_start3A_15 : memref<640x128xf32, #tpu.memory_space<vmem_shared>>) target_semaphore(%run_scoped3A : memref<!tpu.dma_semaphore, #tpu.memory_space<semaphore_mem>>)
      %dma_wait3A = arith.constant 0 : i32
      %dma_wait3A_16 = tpu.memref_slice %arg8[%mul3A_2, %dma_wait3A] : memref<10240x128xf32, #tpu.memory_space<vmem_shared>> -> memref<640x128xf32, #tpu.memory_space<vmem_shared>>
      tpu.wait_dma2 semaphore(%run_scoped3A : memref<!tpu.dma_semaphore, #tpu.memory_space<semaphore_mem>>) src(%arg4 : memref<640x128xf32, #tpu.memory_space<hbm>>) dst(%dma_wait3A_16 : memref<640x128xf32, #tpu.memory_space<vmem_shared>>)
      tpu.yield
    }) : () -> ()
    %barrier3A = arith.constant 0 : index
    tpu.barrier barrier_id(%barrier3A)
    %mul3A_3 = arith.constant 5000 : i32
    %mul3A_4 = arith.muli %add3A, %mul3A_3 : i32
    %scan3A = arith.constant 0 : i32
    %scan3A_5 = arith.constant 0 : i32
    %scan3A_6 = arith.constant 25 : i32
    %scan3A_7 = arith.addi %scan3A_5, %scan3A_6 : i32
    %scan3A_8 = arith.constant 1 : i32
    scf.for %scan3A_15 = %scan3A_5 to %scan3A_7 step %scan3A_8  : i32 {
      %mul3A_16 = arith.constant 200 : i32
      %mul3A_17 = arith.muli %scan3A_15, %mul3A_16 : i32
      %add3A_18 = arith.addi %mul3A_4, %mul3A_17 : i32
      "tpu.region"() ({
        %run_scoped3A = tpu.sem_alloc : memref<!tpu.dma_semaphore, #tpu.memory_space<semaphore_mem>>
        %dma_start3A = tpu.memref_slice %arg2[%add3A_18] : memref<160000xi32, #tpu.memory_space<hbm>> -> memref<200xi32, #tpu.memory_space<hbm>>
        %dma_start3A_19 = tpu.memref_slice %arg2[%add3A_18] : memref<160000xi32, #tpu.memory_space<hbm>> -> memref<200xi32, #tpu.memory_space<hbm>>
        tpu.enqueue_dma source(%dma_start3A_19 : memref<200xi32, #tpu.memory_space<hbm>>) target(%arg6 : memref<200xi32, #tpu.memory_space<vmem>>) target_semaphore(%run_scoped3A : memref<!tpu.dma_semaphore, #tpu.memory_space<semaphore_mem>>)
        %dma_wait3A = tpu.memref_slice %arg2[%add3A_18] : memref<160000xi32, #tpu.memory_space<hbm>> -> memref<200xi32, #tpu.memory_space<hbm>>
        %dma_wait3A_20 = tpu.memref_slice %arg2[%add3A_18] : memref<160000xi32, #tpu.memory_space<hbm>> -> memref<200xi32, #tpu.memory_space<hbm>>
        tpu.wait_dma2 semaphore(%run_scoped3A : memref<!tpu.dma_semaphore, #tpu.memory_space<semaphore_mem>>) src(%dma_wait3A_20 : memref<200xi32, #tpu.memory_space<hbm>>) dst(%arg6 : memref<200xi32, #tpu.memory_space<vmem>>)
        tpu.yield
      }) : () -> ()
      "tpu.region"() ({
        %run_scoped3A = tpu.sem_alloc : memref<!tpu.dma_semaphore, #tpu.memory_space<semaphore_mem>>
        %dma_start3A = arith.constant 0 : i32
        %dma_start3A_19 = tpu.memref_slice %arg3[%add3A_18, %dma_start3A] : memref<160000x128xf32, #tpu.memory_space<hbm>> -> memref<200x128xf32, #tpu.memory_space<hbm>>
        %dma_start3A_20 = arith.constant 0 : i32
        %dma_start3A_21 = tpu.memref_slice %arg3[%add3A_18, %dma_start3A_20] : memref<160000x128xf32, #tpu.memory_space<hbm>> -> memref<200x128xf32, #tpu.memory_space<hbm>>
        tpu.enqueue_dma source(%dma_start3A_21 : memref<200x128xf32, #tpu.memory_space<hbm>>) target(%arg7 : memref<200x128xf32, #tpu.memory_space<vmem>>) target_semaphore(%run_scoped3A : memref<!tpu.dma_semaphore, #tpu.memory_space<semaphore_mem>>)
        %dma_wait3A = arith.constant 0 : i32
        %dma_wait3A_22 = tpu.memref_slice %arg3[%add3A_18, %dma_wait3A] : memref<160000x128xf32, #tpu.memory_space<hbm>> -> memref<200x128xf32, #tpu.memory_space<hbm>>
        %dma_wait3A_23 = arith.constant 0 : i32
        %dma_wait3A_24 = tpu.memref_slice %arg3[%add3A_18, %dma_wait3A_23] : memref<160000x128xf32, #tpu.memory_space<hbm>> -> memref<200x128xf32, #tpu.memory_space<hbm>>
        tpu.wait_dma2 semaphore(%run_scoped3A : memref<!tpu.dma_semaphore, #tpu.memory_space<semaphore_mem>>) src(%dma_wait3A_24 : memref<200x128xf32, #tpu.memory_space<hbm>>) dst(%arg7 : memref<200x128xf32, #tpu.memory_space<vmem>>)
        tpu.yield
      }) : () -> ()
      "tpu.region"() ({
        %run_scoped3A = tpu.sem_alloc : memref<!tpu.dma_semaphore, #tpu.memory_space<semaphore_mem>>
        %dma_start3A = arith.constant 0 : i32
        %dma_start3A_19 = arith.constant 0 : i32
        %dma_start3A_20 = tpu.memref_slice %arg8[%dma_start3A, %dma_start3A_19] : memref<10240x128xf32, #tpu.memory_space<vmem_shared>> -> memref<10240x128xf32, #tpu.memory_space<vmem_shared>>
        tpu.enqueue_indirect_dma source(%arg7 : memref<200x128xf32, #tpu.memory_space<vmem>>) target(%dma_start3A_20 : memref<10240x128xf32, #tpu.memory_space<vmem_shared>>) offsets(%arg6 : memref<200xi32, #tpu.memory_space<vmem>>) semaphore(%run_scoped3A : memref<!tpu.dma_semaphore, #tpu.memory_space<semaphore_mem>>) {add = true}
        %dma_wait3A = arith.constant 0 : i32
        %dma_wait3A_21 = arith.constant 0 : i32
        %dma_wait3A_22 = tpu.memref_slice %arg8[%dma_wait3A, %dma_wait3A_21] : memref<10240x128xf32, #tpu.memory_space<vmem_shared>> -> memref<10240x128xf32, #tpu.memory_space<vmem_shared>>
        tpu.wait_indirect_dma semaphore(%run_scoped3A : memref<!tpu.dma_semaphore, #tpu.memory_space<semaphore_mem>>) src(%arg7 : memref<200x128xf32, #tpu.memory_space<vmem>>) dst(%dma_wait3A_22 : memref<10240x128xf32, #tpu.memory_space<vmem_shared>>)
        tpu.yield
      }) : () -> ()
    }
    %scan3A_9 = arith.constant 25 : i32
    %barrier3A_10 = arith.constant 0 : index
    tpu.barrier barrier_id(%barrier3A_10)
    %mul3A_11 = arith.constant 640 : i32
    %mul3A_12 = arith.muli %arg1, %mul3A_11 : i32
    %mul3A_13 = arith.constant 640 : i32
    %mul3A_14 = arith.muli %arg1, %mul3A_13 : i32
    "tpu.region"() ({
      %run_scoped3A = tpu.sem_alloc : memref<!tpu.dma_semaphore, #tpu.memory_space<semaphore_mem>>
      %dma_start3A = arith.constant 0 : i32
      %dma_start3A_15 = tpu.memref_slice %arg5[%arg0, %mul3A_14, %dma_start3A] : memref<2x10240x128xf32, #tpu.memory_space<hbm>> -> memref<1x640x128xf32, #tpu.memory_space<hbm>>
      %dma_start3A_16 = tpu.memref_squeeze %dma_start3A_15 : memref<1x640x128xf32, #tpu.memory_space<hbm>> -> memref<640x128xf32, #tpu.memory_space<hbm>>
      %dma_start3A_17 = arith.constant 0 : i32
      %dma_start3A_18 = tpu.memref_slice %arg8[%mul3A_12, %dma_start3A_17] : memref<10240x128xf32, #tpu.memory_space<vmem_shared>> -> memref<640x128xf32, #tpu.memory_space<vmem_shared>>
      tpu.enqueue_dma source(%dma_start3A_18 : memref<640x128xf32, #tpu.memory_space<vmem_shared>>) target(%dma_start3A_16 : memref<640x128xf32, #tpu.memory_space<hbm>>) target_semaphore(%run_scoped3A : memref<!tpu.dma_semaphore, #tpu.memory_space<semaphore_mem>>)
      %dma_wait3A = arith.constant 0 : i32
      %dma_wait3A_19 = tpu.memref_slice %arg5[%arg0, %mul3A_14, %dma_wait3A] : memref<2x10240x128xf32, #tpu.memory_space<hbm>> -> memref<1x640x128xf32, #tpu.memory_space<hbm>>
      %dma_wait3A_20 = tpu.memref_squeeze %dma_wait3A_19 : memref<1x640x128xf32, #tpu.memory_space<hbm>> -> memref<640x128xf32, #tpu.memory_space<hbm>>
      %dma_wait3A_21 = arith.constant 0 : i32
      %dma_wait3A_22 = tpu.memref_slice %arg8[%mul3A_12, %dma_wait3A_21] : memref<10240x128xf32, #tpu.memory_space<vmem_shared>> -> memref<640x128xf32, #tpu.memory_space<vmem_shared>>
      tpu.wait_dma2 semaphore(%run_scoped3A : memref<!tpu.dma_semaphore, #tpu.memory_space<semaphore_mem>>) src(%dma_wait3A_22 : memref<640x128xf32, #tpu.memory_space<vmem_shared>>) dst(%dma_wait3A_20 : memref<640x128xf32, #tpu.memory_space<hbm>>)
      tpu.yield
    }) : () -> ()
    return
  }
}

#map = affine_map<(d0, d1) -> (0)>
#map1 = affine_map<(d0, d1) -> (0, 0)>
module attributes {stable_mosaic.version = 14 : i64} {
  func.func @_lambda_(%arg0: i32, %arg1: i32, %arg2: memref<160000xi32, #tpu.memory_space<hbm>>, %arg3: memref<160000xi32, #tpu.memory_space<hbm>>, %arg4: memref<10000x128xf32, #tpu.memory_space<hbm>>, %arg5: memref<160000x128xf32, #tpu.memory_space<hbm>>, %arg6: memref<160000x128xf32, #tpu.memory_space<hbm>>, %arg7: memref<200xi32, #tpu.memory_space<vmem>>, %arg8: memref<200xi32, #tpu.memory_space<vmem>>, %arg9: memref<200x128xf32, #tpu.memory_space<vmem>>, %arg10: memref<200x128xf32, #tpu.memory_space<vmem>>, %arg11: memref<!tpu.dma_semaphore, #tpu.memory_space<semaphore_mem>>, %arg12: memref<!tpu.dma_semaphore, #tpu.memory_space<semaphore_mem>>) attributes {dimension_semantics = [#tpu.dimension_semantics<core_parallel>, #tpu.dimension_semantics<subcore_parallel>], iteration_bounds = array<i64: 2, 16>, scalar_prefetch = 0 : i64, scratch_operands = 6 : i64, tpu.core_type = #tpu.core_type<sc_vector_subcore>, window_params = [{transform_indices = #map}, {transform_indices = #map}, {transform_indices = #map1}, {transform_indices = #map1}, {transform_indices = #map1}]} {
    %mul3A = arith.constant 2 : i32
    %mul3A_0 = arith.muli %arg1, %mul3A : i32
    %add3A = arith.addi %mul3A_0, %arg0 : i32
    %mul3A_1 = arith.constant 5000 : i32
    %mul3A_2 = arith.muli %add3A, %mul3A_1 : i32
    %scan3A = arith.constant 0 : i32
    %scan3A_3 = arith.constant 0 : i32
    %scan3A_4 = arith.constant 25 : i32
    %scan3A_5 = arith.addi %scan3A_3, %scan3A_4 : i32
    %scan3A_6 = arith.constant 1 : i32
    scf.for %scan3A_8 = %scan3A_3 to %scan3A_5 step %scan3A_6  : i32 {
      %mul3A_9 = arith.constant 200 : i32
      %mul3A_10 = arith.muli %scan3A_8, %mul3A_9 : i32
      %add3A_11 = arith.addi %mul3A_2, %mul3A_10 : i32
      "tpu.region"() ({
        %run_scoped3A = tpu.sem_alloc : memref<!tpu.dma_semaphore, #tpu.memory_space<semaphore_mem>>
        %dma_start3A_22 = tpu.memref_slice %arg2[%add3A_11] : memref<160000xi32, #tpu.memory_space<hbm>> -> memref<200xi32, #tpu.memory_space<hbm>>
        %dma_start3A_23 = tpu.memref_slice %arg2[%add3A_11] : memref<160000xi32, #tpu.memory_space<hbm>> -> memref<200xi32, #tpu.memory_space<hbm>>
        tpu.enqueue_dma source(%dma_start3A_23 : memref<200xi32, #tpu.memory_space<hbm>>) target(%arg7 : memref<200xi32, #tpu.memory_space<vmem>>) target_semaphore(%run_scoped3A : memref<!tpu.dma_semaphore, #tpu.memory_space<semaphore_mem>>)
        %dma_wait3A_24 = tpu.memref_slice %arg2[%add3A_11] : memref<160000xi32, #tpu.memory_space<hbm>> -> memref<200xi32, #tpu.memory_space<hbm>>
        %dma_wait3A_25 = tpu.memref_slice %arg2[%add3A_11] : memref<160000xi32, #tpu.memory_space<hbm>> -> memref<200xi32, #tpu.memory_space<hbm>>
        tpu.wait_dma2 semaphore(%run_scoped3A : memref<!tpu.dma_semaphore, #tpu.memory_space<semaphore_mem>>) src(%dma_wait3A_25 : memref<200xi32, #tpu.memory_space<hbm>>) dst(%arg7 : memref<200xi32, #tpu.memory_space<vmem>>)
        tpu.yield
      }) : () -> ()
      "tpu.region"() ({
        %run_scoped3A = tpu.sem_alloc : memref<!tpu.dma_semaphore, #tpu.memory_space<semaphore_mem>>
        %dma_start3A_22 = tpu.memref_slice %arg3[%add3A_11] : memref<160000xi32, #tpu.memory_space<hbm>> -> memref<200xi32, #tpu.memory_space<hbm>>
        %dma_start3A_23 = tpu.memref_slice %arg3[%add3A_11] : memref<160000xi32, #tpu.memory_space<hbm>> -> memref<200xi32, #tpu.memory_space<hbm>>
        tpu.enqueue_dma source(%dma_start3A_23 : memref<200xi32, #tpu.memory_space<hbm>>) target(%arg8 : memref<200xi32, #tpu.memory_space<vmem>>) target_semaphore(%run_scoped3A : memref<!tpu.dma_semaphore, #tpu.memory_space<semaphore_mem>>)
        %dma_wait3A_24 = tpu.memref_slice %arg3[%add3A_11] : memref<160000xi32, #tpu.memory_space<hbm>> -> memref<200xi32, #tpu.memory_space<hbm>>
        %dma_wait3A_25 = tpu.memref_slice %arg3[%add3A_11] : memref<160000xi32, #tpu.memory_space<hbm>> -> memref<200xi32, #tpu.memory_space<hbm>>
        tpu.wait_dma2 semaphore(%run_scoped3A : memref<!tpu.dma_semaphore, #tpu.memory_space<semaphore_mem>>) src(%dma_wait3A_25 : memref<200xi32, #tpu.memory_space<hbm>>) dst(%arg8 : memref<200xi32, #tpu.memory_space<vmem>>)
        tpu.yield
      }) : () -> ()
      %dma_start3A = arith.constant 0 : i32
      %dma_start3A_12 = arith.constant 0 : i32
      %dma_start3A_13 = tpu.memref_slice %arg4[%dma_start3A, %dma_start3A_12] : memref<10000x128xf32, #tpu.memory_space<hbm>> -> memref<10000x128xf32, #tpu.memory_space<hbm>>
      tpu.enqueue_indirect_dma source(%dma_start3A_13 : memref<10000x128xf32, #tpu.memory_space<hbm>>) target(%arg9 : memref<200x128xf32, #tpu.memory_space<vmem>>) offsets(%arg7 : memref<200xi32, #tpu.memory_space<vmem>>) semaphore(%arg11 : memref<!tpu.dma_semaphore, #tpu.memory_space<semaphore_mem>>)
      %dma_start3A_14 = arith.constant 0 : i32
      %dma_start3A_15 = arith.constant 0 : i32
      %dma_start3A_16 = tpu.memref_slice %arg4[%dma_start3A_14, %dma_start3A_15] : memref<10000x128xf32, #tpu.memory_space<hbm>> -> memref<10000x128xf32, #tpu.memory_space<hbm>>
      tpu.enqueue_indirect_dma source(%dma_start3A_16 : memref<10000x128xf32, #tpu.memory_space<hbm>>) target(%arg10 : memref<200x128xf32, #tpu.memory_space<vmem>>) offsets(%arg8 : memref<200xi32, #tpu.memory_space<vmem>>) semaphore(%arg12 : memref<!tpu.dma_semaphore, #tpu.memory_space<semaphore_mem>>)
      %dma_wait3A = arith.constant 0 : i32
      %dma_wait3A_17 = arith.constant 0 : i32
      %dma_wait3A_18 = tpu.memref_slice %arg4[%dma_wait3A, %dma_wait3A_17] : memref<10000x128xf32, #tpu.memory_space<hbm>> -> memref<10000x128xf32, #tpu.memory_space<hbm>>
      tpu.wait_indirect_dma semaphore(%arg11 : memref<!tpu.dma_semaphore, #tpu.memory_space<semaphore_mem>>) src(%dma_wait3A_18 : memref<10000x128xf32, #tpu.memory_space<hbm>>) dst(%arg9 : memref<200x128xf32, #tpu.memory_space<vmem>>)
      "tpu.region"() ({
        %run_scoped3A = tpu.sem_alloc : memref<!tpu.dma_semaphore, #tpu.memory_space<semaphore_mem>>
        %dma_start3A_22 = arith.constant 0 : i32
        %dma_start3A_23 = tpu.memref_slice %arg5[%add3A_11, %dma_start3A_22] : memref<160000x128xf32, #tpu.memory_space<hbm>> -> memref<200x128xf32, #tpu.memory_space<hbm>>
        %dma_start3A_24 = arith.constant 0 : i32
        %dma_start3A_25 = tpu.memref_slice %arg5[%add3A_11, %dma_start3A_24] : memref<160000x128xf32, #tpu.memory_space<hbm>> -> memref<200x128xf32, #tpu.memory_space<hbm>>
        tpu.enqueue_dma source(%arg9 : memref<200x128xf32, #tpu.memory_space<vmem>>) target(%dma_start3A_25 : memref<200x128xf32, #tpu.memory_space<hbm>>) target_semaphore(%run_scoped3A : memref<!tpu.dma_semaphore, #tpu.memory_space<semaphore_mem>>)
        %dma_wait3A_26 = arith.constant 0 : i32
        %dma_wait3A_27 = tpu.memref_slice %arg5[%add3A_11, %dma_wait3A_26] : memref<160000x128xf32, #tpu.memory_space<hbm>> -> memref<200x128xf32, #tpu.memory_space<hbm>>
        %dma_wait3A_28 = arith.constant 0 : i32
        %dma_wait3A_29 = tpu.memref_slice %arg5[%add3A_11, %dma_wait3A_28] : memref<160000x128xf32, #tpu.memory_space<hbm>> -> memref<200x128xf32, #tpu.memory_space<hbm>>
        tpu.wait_dma2 semaphore(%run_scoped3A : memref<!tpu.dma_semaphore, #tpu.memory_space<semaphore_mem>>) src(%arg9 : memref<200x128xf32, #tpu.memory_space<vmem>>) dst(%dma_wait3A_29 : memref<200x128xf32, #tpu.memory_space<hbm>>)
        tpu.yield
      }) : () -> ()
      %dma_wait3A_19 = arith.constant 0 : i32
      %dma_wait3A_20 = arith.constant 0 : i32
      %dma_wait3A_21 = tpu.memref_slice %arg4[%dma_wait3A_19, %dma_wait3A_20] : memref<10000x128xf32, #tpu.memory_space<hbm>> -> memref<10000x128xf32, #tpu.memory_space<hbm>>
      tpu.wait_indirect_dma semaphore(%arg12 : memref<!tpu.dma_semaphore, #tpu.memory_space<semaphore_mem>>) src(%dma_wait3A_21 : memref<10000x128xf32, #tpu.memory_space<hbm>>) dst(%arg10 : memref<200x128xf32, #tpu.memory_space<vmem>>)
      "tpu.region"() ({
        %run_scoped3A = tpu.sem_alloc : memref<!tpu.dma_semaphore, #tpu.memory_space<semaphore_mem>>
        %dma_start3A_22 = arith.constant 0 : i32
        %dma_start3A_23 = tpu.memref_slice %arg6[%add3A_11, %dma_start3A_22] : memref<160000x128xf32, #tpu.memory_space<hbm>> -> memref<200x128xf32, #tpu.memory_space<hbm>>
        %dma_start3A_24 = arith.constant 0 : i32
        %dma_start3A_25 = tpu.memref_slice %arg6[%add3A_11, %dma_start3A_24] : memref<160000x128xf32, #tpu.memory_space<hbm>> -> memref<200x128xf32, #tpu.memory_space<hbm>>
        tpu.enqueue_dma source(%arg10 : memref<200x128xf32, #tpu.memory_space<vmem>>) target(%dma_start3A_25 : memref<200x128xf32, #tpu.memory_space<hbm>>) target_semaphore(%run_scoped3A : memref<!tpu.dma_semaphore, #tpu.memory_space<semaphore_mem>>)
        %dma_wait3A_26 = arith.constant 0 : i32
        %dma_wait3A_27 = tpu.memref_slice %arg6[%add3A_11, %dma_wait3A_26] : memref<160000x128xf32, #tpu.memory_space<hbm>> -> memref<200x128xf32, #tpu.memory_space<hbm>>
        %dma_wait3A_28 = arith.constant 0 : i32
        %dma_wait3A_29 = tpu.memref_slice %arg6[%add3A_11, %dma_wait3A_28] : memref<160000x128xf32, #tpu.memory_space<hbm>> -> memref<200x128xf32, #tpu.memory_space<hbm>>
        tpu.wait_dma2 semaphore(%run_scoped3A : memref<!tpu.dma_semaphore, #tpu.memory_space<semaphore_mem>>) src(%arg10 : memref<200x128xf32, #tpu.memory_space<vmem>>) dst(%dma_wait3A_29 : memref<200x128xf32, #tpu.memory_space<hbm>>)
        tpu.yield
      }) : () -> ()
    }
    %scan3A_7 = arith.constant 25 : i32
    return
  }
}

module attributes {stable_mosaic.version = 14 : i64} {
  func.func @_edge_mlp_kernel(%arg0: i32, %arg1: memref<640x128xf32, #tpu.memory_space<vmem>>, %arg2: memref<640x128xf32, #tpu.memory_space<vmem>>, %arg3: memref<256x514xbf16, #tpu.memory_space<vmem>>, %arg4: memref<1x514xbf16, #tpu.memory_space<vmem>>, %arg5: memref<1x514xbf16, #tpu.memory_space<vmem>>, %arg6: memref<514x16xbf16, #tpu.memory_space<vmem>>, %arg7: memref<1x16xf32, #tpu.memory_space<vmem>>, %arg8: memref<16x64xbf16, #tpu.memory_space<vmem>>, %arg9: memref<1x64xf32, #tpu.memory_space<vmem>>, %arg10: memref<1x64xf32, #tpu.memory_space<vmem>>, %arg11: memref<1x1xf32, #tpu.memory_space<vmem>>, %arg12: memref<1x1xf32, #tpu.memory_space<vmem>>, %arg13: memref<640x128xf32, #tpu.memory_space<vmem>>) attributes {dimension_semantics = [#tpu.dimension_semantics<arbitrary>], iteration_bounds = array<i64: 250>, scalar_prefetch = 0 : i64, scratch_operands = 0 : i64, tpu.core_type = #tpu.core_type<tc>, window_params = [{transform_indices = @transform_0, window_bounds = array<i64: 640, 128>}, {transform_indices = @transform_1, window_bounds = array<i64: 640, 128>}, {pipeline_mode = #tpu.pipeline_mode<synchronous>, transform_indices = @transform_2, window_bounds = array<i64: 256, 514>}, {pipeline_mode = #tpu.pipeline_mode<synchronous>, transform_indices = @transform_3, window_bounds = array<i64: 1, 514>}, {pipeline_mode = #tpu.pipeline_mode<synchronous>, transform_indices = @transform_4, window_bounds = array<i64: 1, 514>}, {pipeline_mode = #tpu.pipeline_mode<synchronous>, transform_indices = @transform_5, window_bounds = array<i64: 514, 16>}, {pipeline_mode = #tpu.pipeline_mode<synchronous>, transform_indices = @transform_6, window_bounds = array<i64: 1, 16>}, {pipeline_mode = #tpu.pipeline_mode<synchronous>, transform_indices = @transform_7, window_bounds = array<i64: 16, 64>}, {pipeline_mode = #tpu.pipeline_mode<synchronous>, transform_indices = @transform_8, window_bounds = array<i64: 1, 64>}, {pipeline_mode = #tpu.pipeline_mode<synchronous>, transform_indices = @transform_9, window_bounds = array<i64: 1, 64>}, {pipeline_mode = #tpu.pipeline_mode<synchronous>, transform_indices = @transform_10, window_bounds = array<i64: 1, 1>}, {pipeline_mode = #tpu.pipeline_mode<synchronous>, transform_indices = @transform_11, window_bounds = array<i64: 1, 1>}, {transform_indices = @transform_12, window_bounds = array<i64: 640, 128>}]} {
    %get3A = arith.constant 0 : index
    %get3A_0 = arith.constant 0 : index
    %get3A_1 = vector.load %arg1[%get3A, %get3A_0] : memref<640x128xf32, #tpu.memory_space<vmem>>, vector<640x128xf32>
    %get3A_2 = arith.constant 0 : index
    %get3A_3 = arith.constant 0 : index
    %get3A_4 = vector.load %arg2[%get3A_2, %get3A_3] : memref<640x128xf32, #tpu.memory_space<vmem>>, vector<640x128xf32>
    %slice3A = vector.extract_strided_slice %get3A_4 {offsets = [0, 64], sizes = [640, 8], strides = [1, 1]} : vector<640x128xf32> to vector<640x8xf32>
    %slice3A_5 = vector.extract_strided_slice %get3A_1 {offsets = [0, 64], sizes = [640, 8], strides = [1, 1]} : vector<640x128xf32> to vector<640x8xf32>
    %sub3A = arith.subf %slice3A, %slice3A_5 : vector<640x8xf32>
    %mul3A = arith.mulf %sub3A, %sub3A : vector<640x8xf32>
    %reduce_sum3A = arith.constant dense<0.000000e+00> : vector<640xf32>
    %reduce_sum3A_6 = vector.multi_reduction <add>, %mul3A, %reduce_sum3A [1] : vector<640x8xf32> to vector<640xf32>
    %broadcast_in_dim3A = vector.shape_cast %reduce_sum3A_6 : vector<640xf32> to vector<640x1xf32>
    %slice3A_7 = vector.extract_strided_slice %get3A_1 {offsets = [0, 0], sizes = [640, 64], strides = [1, 1]} : vector<640x128xf32> to vector<640x64xf32>
    %bitcast_convert_type3A = tpu.bitcast %slice3A_7 : vector<640x64xf32> -> vector<640x64xi32>
    %slice3A_8 = vector.extract_strided_slice %get3A_4 {offsets = [0, 0], sizes = [640, 64], strides = [1, 1]} : vector<640x128xf32> to vector<640x64xf32>
    %bitcast_convert_type3A_9 = tpu.bitcast %slice3A_8 : vector<640x64xf32> -> vector<640x64xi32>
    %concatenate3A = tpu.concatenate %bitcast_convert_type3A, %bitcast_convert_type3A_9 in 1 : vector<640x64xi32>, vector<640x64xi32> -> vector<640x128xi32>
    %shift_left3A = arith.constant 16 : i32
    %shift_left3A_10 = vector.broadcast %shift_left3A : i32 to vector<640x128xi32>
    %shift_left3A_11 = arith.shli %concatenate3A, %shift_left3A_10 : vector<640x128xi32>
    %bitcast_convert_type3A_12 = tpu.bitcast %shift_left3A_11 : vector<640x128xi32> -> vector<640x128xf32>
    %and3A = arith.constant -65536 : i32
    %and3A_13 = vector.broadcast %and3A : i32 to vector<640x128xi32>
    %and3A_14 = arith.andi %concatenate3A, %and3A_13 : vector<640x128xi32>
    %bitcast_convert_type3A_15 = tpu.bitcast %and3A_14 : vector<640x128xi32> -> vector<640x128xf32>
    %concatenate3A_16 = tpu.concatenate %bitcast_convert_type3A_12, %bitcast_convert_type3A_15 in 1 : vector<640x128xf32>, vector<640x128xf32> -> vector<640x256xf32>
    %convert_element_type3A = arith.truncf %concatenate3A_16 : vector<640x256xf32> to vector<640x256xbf16>
    %convert_element_type3A_17 = arith.truncf %broadcast_in_dim3A : vector<640x1xf32> to vector<640x1xbf16>
    %get3A_18 = arith.constant 0 : index
    %get3A_19 = arith.constant 0 : index
    %get3A_20 = vector.load %arg3[%get3A_18, %get3A_19] : memref<256x514xbf16, #tpu.memory_space<vmem>>, vector<256x512xbf16>
    %dot_general3A = arith.constant dense<0.000000e+00> : vector<640x512xf32>
    %dot_general3A_21 = tpu.matmul %convert_element_type3A, %get3A_20, %dot_general3A {dimension_numbers = #tpu.dot_dimension_numbers<[1], [0], [0], [1], [0, 0, 1, 1], [], []>, transpose_lhs_hint = false} : vector<640x256xbf16>, vector<256x512xbf16>, vector<640x512xf32> -> vector<640x512xf32>
    %convert_element_type3A_22 = arith.truncf %dot_general3A_21 : vector<640x512xf32> to vector<640x512xbf16>
    %get3A_23 = arith.constant 0 : index
    %get3A_24 = arith.constant 0 : index
    %get3A_25 = vector.load %arg4[%get3A_23, %get3A_24] : memref<1x514xbf16, #tpu.memory_space<vmem>>, vector<1x512xbf16>
    %mul3A_26 = vector.broadcast %convert_element_type3A_17 : vector<640x1xbf16> to vector<640x512xbf16>
    %mul3A_27 = vector.broadcast %get3A_25 : vector<1x512xbf16> to vector<640x512xbf16>
    %mul3A_28 = arith.mulf %mul3A_26, %mul3A_27 : vector<640x512xbf16>
    %get3A_29 = arith.constant 0 : index
    %get3A_30 = arith.constant 0 : index
    %get3A_31 = vector.load %arg5[%get3A_29, %get3A_30] : memref<1x514xbf16, #tpu.memory_space<vmem>>, vector<1x512xbf16>
    %add3A = vector.broadcast %get3A_31 : vector<1x512xbf16> to vector<640x512xbf16>
    %add3A_32 = arith.addf %mul3A_28, %add3A : vector<640x512xbf16>
    %add3A_33 = arith.addf %convert_element_type3A_22, %add3A_32 : vector<640x512xbf16>
    %get3A_34 = arith.constant 0 : index
    %get3A_35 = arith.constant 512 : index
    %get3A_36 = vector.load %arg3[%get3A_34, %get3A_35] : memref<256x514xbf16, #tpu.memory_space<vmem>>, vector<256x2xbf16>
    %dot_general3A_37 = arith.constant dense<0.000000e+00> : vector<640x2xf32>
    %dot_general3A_38 = tpu.matmul %convert_element_type3A, %get3A_36, %dot_general3A_37 {dimension_numbers = #tpu.dot_dimension_numbers<[1], [0], [0], [1], [0, 0, 1, 1], [], []>, transpose_lhs_hint = false} : vector<640x256xbf16>, vector<256x2xbf16>, vector<640x2xf32> -> vector<640x2xf32>
    %convert_element_type3A_39 = arith.truncf %dot_general3A_38 : vector<640x2xf32> to vector<640x2xbf16>
    %get3A_40 = arith.constant 0 : index
    %get3A_41 = arith.constant 512 : index
    %get3A_42 = vector.load %arg4[%get3A_40, %get3A_41] : memref<1x514xbf16, #tpu.memory_space<vmem>>, vector<1x2xbf16>
    %mul3A_43 = vector.broadcast %convert_element_type3A_17 : vector<640x1xbf16> to vector<640x2xbf16>
    %mul3A_44 = vector.broadcast %get3A_42 : vector<1x2xbf16> to vector<640x2xbf16>
    %mul3A_45 = arith.mulf %mul3A_43, %mul3A_44 : vector<640x2xbf16>
    %get3A_46 = arith.constant 0 : index
    %get3A_47 = arith.constant 512 : index
    %get3A_48 = vector.load %arg5[%get3A_46, %get3A_47] : memref<1x514xbf16, #tpu.memory_space<vmem>>, vector<1x2xbf16>
    %add3A_49 = vector.broadcast %get3A_48 : vector<1x2xbf16> to vector<640x2xbf16>
    %add3A_50 = arith.addf %mul3A_45, %add3A_49 : vector<640x2xbf16>
    %add3A_51 = arith.addf %convert_element_type3A_39, %add3A_50 : vector<640x2xbf16>
    %neg3A = arith.constant 0.000000e+00 : bf16
    %neg3A_52 = vector.broadcast %neg3A : bf16 to vector<640x512xbf16>
    %neg3A_53 = arith.subf %neg3A_52, %add3A_33 : vector<640x512xbf16>
    %exp3A = math.exp %neg3A_53 : vector<640x512xbf16>
    %add3A_54 = arith.constant 1.000000e+00 : bf16
    %add3A_55 = vector.broadcast %add3A_54 : bf16 to vector<640x512xbf16>
    %add3A_56 = arith.addf %add3A_55, %exp3A : vector<640x512xbf16>
    %div3A = arith.divf %add3A_33, %add3A_56 : vector<640x512xbf16>
    %get3A_57 = arith.constant 0 : index
    %get3A_58 = arith.constant 0 : index
    %get3A_59 = vector.load %arg6[%get3A_57, %get3A_58] : memref<514x16xbf16, #tpu.memory_space<vmem>>, vector<512x16xbf16>
    %dot_general3A_60 = arith.constant dense<0.000000e+00> : vector<640x16xf32>
    %dot_general3A_61 = tpu.matmul %div3A, %get3A_59, %dot_general3A_60 {dimension_numbers = #tpu.dot_dimension_numbers<[1], [0], [0], [1], [0, 0, 1, 1], [], []>, transpose_lhs_hint = false} : vector<640x512xbf16>, vector<512x16xbf16>, vector<640x16xf32> -> vector<640x16xf32>
    %neg3A_62 = arith.constant 0.000000e+00 : bf16
    %neg3A_63 = vector.broadcast %neg3A_62 : bf16 to vector<640x2xbf16>
    %neg3A_64 = arith.subf %neg3A_63, %add3A_51 : vector<640x2xbf16>
    %exp3A_65 = math.exp %neg3A_64 : vector<640x2xbf16>
    %add3A_66 = arith.constant 1.000000e+00 : bf16
    %add3A_67 = vector.broadcast %add3A_66 : bf16 to vector<640x2xbf16>
    %add3A_68 = arith.addf %add3A_67, %exp3A_65 : vector<640x2xbf16>
    %div3A_69 = arith.divf %add3A_51, %add3A_68 : vector<640x2xbf16>
    %get3A_70 = arith.constant 512 : index
    %get3A_71 = arith.constant 0 : index
    %get3A_72 = vector.load %arg6[%get3A_70, %get3A_71] : memref<514x16xbf16, #tpu.memory_space<vmem>>, vector<2x16xbf16>
    %dot_general3A_73 = arith.constant dense<0.000000e+00> : vector<640x16xf32>
    %dot_general3A_74 = tpu.matmul %div3A_69, %get3A_72, %dot_general3A_73 {dimension_numbers = #tpu.dot_dimension_numbers<[1], [0], [0], [1], [0, 0, 1, 1], [], []>, transpose_lhs_hint = false} : vector<640x2xbf16>, vector<2x16xbf16>, vector<640x16xf32> -> vector<640x16xf32>
    %add3A_75 = arith.addf %dot_general3A_61, %dot_general3A_74 : vector<640x16xf32>
    %get3A_76 = arith.constant 0 : index
    %get3A_77 = arith.constant 0 : index
    %get3A_78 = vector.load %arg7[%get3A_76, %get3A_77] : memref<1x16xf32, #tpu.memory_space<vmem>>, vector<1x16xf32>
    %add3A_79 = vector.broadcast %get3A_78 : vector<1x16xf32> to vector<640x16xf32>
    %add3A_80 = arith.addf %add3A_75, %add3A_79 : vector<640x16xf32>
    %neg3A_81 = arith.constant 0.000000e+00 : f32
    %neg3A_82 = vector.broadcast %neg3A_81 : f32 to vector<640x16xf32>
    %neg3A_83 = arith.subf %neg3A_82, %add3A_80 : vector<640x16xf32>
    %exp3A_84 = math.exp %neg3A_83 : vector<640x16xf32>
    %add3A_85 = arith.constant 1.000000e+00 : f32
    %add3A_86 = vector.broadcast %add3A_85 : f32 to vector<640x16xf32>
    %add3A_87 = arith.addf %add3A_86, %exp3A_84 : vector<640x16xf32>
    %div3A_88 = arith.divf %add3A_80, %add3A_87 : vector<640x16xf32>
    %convert_element_type3A_89 = arith.truncf %div3A_88 : vector<640x16xf32> to vector<640x16xbf16>
    %get3A_90 = arith.constant 0 : index
    %get3A_91 = arith.constant 0 : index
    %get3A_92 = vector.load %arg8[%get3A_90, %get3A_91] : memref<16x64xbf16, #tpu.memory_space<vmem>>, vector<16x64xbf16>
    %dot_general3A_93 = arith.constant dense<0.000000e+00> : vector<640x64xf32>
    %dot_general3A_94 = tpu.matmul %convert_element_type3A_89, %get3A_92, %dot_general3A_93 {dimension_numbers = #tpu.dot_dimension_numbers<[1], [0], [0], [1], [0, 0, 1, 1], [], []>, transpose_lhs_hint = false} : vector<640x16xbf16>, vector<16x64xbf16>, vector<640x64xf32> -> vector<640x64xf32>
    %get3A_95 = arith.constant 0 : index
    %get3A_96 = arith.constant 0 : index
    %get3A_97 = vector.load %arg9[%get3A_95, %get3A_96] : memref<1x64xf32, #tpu.memory_space<vmem>>, vector<1x64xf32>
    %add3A_98 = vector.broadcast %get3A_97 : vector<1x64xf32> to vector<640x64xf32>
    %add3A_99 = arith.addf %dot_general3A_94, %add3A_98 : vector<640x64xf32>
    %convert_element_type3A_100 = arith.truncf %add3A_99 : vector<640x64xf32> to vector<640x64xbf16>
    %neg3A_101 = arith.constant 0.000000e+00 : bf16
    %neg3A_102 = vector.broadcast %neg3A_101 : bf16 to vector<640x64xbf16>
    %neg3A_103 = arith.subf %neg3A_102, %convert_element_type3A_100 : vector<640x64xbf16>
    %exp3A_104 = math.exp %neg3A_103 : vector<640x64xbf16>
    %add3A_105 = arith.constant 1.000000e+00 : bf16
    %add3A_106 = vector.broadcast %add3A_105 : bf16 to vector<640x64xbf16>
    %add3A_107 = arith.addf %add3A_106, %exp3A_104 : vector<640x64xbf16>
    %div3A_108 = arith.divf %convert_element_type3A_100, %add3A_107 : vector<640x64xbf16>
    %get3A_109 = arith.constant 0 : index
    %get3A_110 = arith.constant 0 : index
    %get3A_111 = vector.load %arg10[%get3A_109, %get3A_110] : memref<1x64xf32, #tpu.memory_space<vmem>>, vector<1x64xf32>
    %convert_element_type3A_112 = arith.extf %div3A_108 : vector<640x64xbf16> to vector<640x64xf32>
    %mul3A_113 = vector.broadcast %get3A_111 : vector<1x64xf32> to vector<640x64xf32>
    %mul3A_114 = arith.mulf %convert_element_type3A_112, %mul3A_113 : vector<640x64xf32>
    %reduce_sum3A_115 = arith.constant dense<0.000000e+00> : vector<640xf32>
    %reduce_sum3A_116 = vector.multi_reduction <add>, %mul3A_114, %reduce_sum3A_115 [1] : vector<640x64xf32> to vector<640xf32>
    %broadcast_in_dim3A_117 = vector.shape_cast %reduce_sum3A_116 : vector<640xf32> to vector<640x1xf32>
    %get3A_118 = arith.constant 0 : index
    %get3A_119 = arith.constant 0 : index
    %get3A_120 = vector.load %arg11[%get3A_118, %get3A_119] : memref<1x1xf32, #tpu.memory_space<vmem>>, vector<1x1xf32>
    %add3A_121 = vector.broadcast %get3A_120 : vector<1x1xf32> to vector<640x1xf32>
    %add3A_122 = arith.addf %broadcast_in_dim3A_117, %add3A_121 : vector<640x1xf32>
    %tanh3A = math.tanh %add3A_122 : vector<640x1xf32>
    %get3A_123 = arith.constant 0 : index
    %get3A_124 = arith.constant 0 : index
    %get3A_125 = vector.load %arg12[%get3A_123, %get3A_124] : memref<1x1xf32, #tpu.memory_space<vmem>>, vector<1x1xf32>
    %mul3A_126 = vector.broadcast %get3A_125 : vector<1x1xf32> to vector<640x1xf32>
    %mul3A_127 = arith.mulf %tanh3A, %mul3A_126 : vector<640x1xf32>
    %max3A = arith.constant 1.000000e-16 : f32
    %max3A_128 = vector.broadcast %max3A : f32 to vector<640x1xf32>
    %max3A_129 = arith.maximumf %broadcast_in_dim3A, %max3A_128 : vector<640x1xf32>
    %rsqrt3A = math.rsqrt %max3A_129 : vector<640x1xf32>
    %mul3A_130 = arith.mulf %mul3A_127, %rsqrt3A : vector<640x1xf32>
    %mul3A_131 = vector.broadcast %mul3A_130 : vector<640x1xf32> to vector<640x8xf32>
    %mul3A_132 = arith.mulf %sub3A, %mul3A_131 : vector<640x8xf32>
    %broadcast_in_dim3A_133 = arith.constant 0.000000e+00 : f32
    %broadcast_in_dim3A_134 = vector.broadcast %broadcast_in_dim3A_133 : f32 to vector<640x104xf32>
    %concatenate3A_135 = tpu.concatenate %div3A_88, %mul3A_132, %broadcast_in_dim3A_134 in 1 : vector<640x16xf32>, vector<640x8xf32>, vector<640x104xf32> -> vector<640x128xf32>
    %swap3A = arith.constant 0 : index
    %swap3A_136 = arith.constant 0 : index
    %swap3A_137 = vector.load %arg13[%swap3A, %swap3A_136] : memref<640x128xf32, #tpu.memory_space<vmem>>, vector<640x128xf32>
    tpu.vector_store %arg13[%swap3A, %swap3A_136], %concatenate3A_135 {strides = array<i32>} : memref<640x128xf32, #tpu.memory_space<vmem>>, vector<640x128xf32>,
    return
  }
  func.func @transform_0(%arg0: i32) -> (i32, i32) {
    %c0_i32 = arith.constant 0 : i32
    %c0_i32_0 = arith.constant 0 : i32
    return %arg0, %c0_i32 : i32, i32
  }
  func.func @transform_1(%arg0: i32) -> (i32, i32) {
    %c0_i32 = arith.constant 0 : i32
    %c0_i32_0 = arith.constant 0 : i32
    return %arg0, %c0_i32 : i32, i32
  }
  func.func @transform_2(%arg0: i32) -> (i32, i32) {
    %c0_i32 = arith.constant 0 : i32
    %c0_i32_0 = arith.constant 0 : i32
    %c0_i32_1 = arith.constant 0 : i32
    return %c0_i32, %c0_i32_0 : i32, i32
  }
  func.func @transform_3(%arg0: i32) -> (i32, i32) {
    %c0_i32 = arith.constant 0 : i32
    %c0_i32_0 = arith.constant 0 : i32
    %c0_i32_1 = arith.constant 0 : i32
    return %c0_i32, %c0_i32_0 : i32, i32
  }
  func.func @transform_4(%arg0: i32) -> (i32, i32) {
    %c0_i32 = arith.constant 0 : i32
    %c0_i32_0 = arith.constant 0 : i32
    %c0_i32_1 = arith.constant 0 : i32
    return %c0_i32, %c0_i32_0 : i32, i32
  }
  func.func @transform_5(%arg0: i32) -> (i32, i32) {
    %c0_i32 = arith.constant 0 : i32
    %c0_i32_0 = arith.constant 0 : i32
    %c0_i32_1 = arith.constant 0 : i32
    return %c0_i32, %c0_i32_0 : i32, i32
  }
  func.func @transform_6(%arg0: i32) -> (i32, i32) {
    %c0_i32 = arith.constant 0 : i32
    %c0_i32_0 = arith.constant 0 : i32
    %c0_i32_1 = arith.constant 0 : i32
    return %c0_i32, %c0_i32_0 : i32, i32
  }
  func.func @transform_7(%arg0: i32) -> (i32, i32) {
    %c0_i32 = arith.constant 0 : i32
    %c0_i32_0 = arith.constant 0 : i32
    %c0_i32_1 = arith.constant 0 : i32
    return %c0_i32, %c0_i32_0 : i32, i32
  }
  func.func @transform_8(%arg0: i32) -> (i32, i32) {
    %c0_i32 = arith.constant 0 : i32
    %c0_i32_0 = arith.constant 0 : i32
    %c0_i32_1 = arith.constant 0 : i32
    return %c0_i32, %c0_i32_0 : i32, i32
  }
  func.func @transform_9(%arg0: i32) -> (i32, i32) {
    %c0_i32 = arith.constant 0 : i32
    %c0_i32_0 = arith.constant 0 : i32
    %c0_i32_1 = arith.constant 0 : i32
    return %c0_i32, %c0_i32_0 : i32, i32
  }
  func.func @transform_10(%arg0: i32) -> (i32, i32) {
    %c0_i32 = arith.constant 0 : i32
    %c0_i32_0 = arith.constant 0 : i32
    %c0_i32_1 = arith.constant 0 : i32
    return %c0_i32, %c0_i32_0 : i32, i32
  }
  func.func @transform_11(%arg0: i32) -> (i32, i32) {
    %c0_i32 = arith.constant 0 : i32
    %c0_i32_0 = arith.constant 0 : i32
    %c0_i32_1 = arith.constant 0 : i32
    return %c0_i32, %c0_i32_0 : i32, i32
  }
  func.func @transform_12(%arg0: i32) -> (i32, i32) {
    %c0_i32 = arith.constant 0 : i32
    %c0_i32_0 = arith.constant 0 : i32
    return %arg0, %c0_i32 : i32, i32
  }
}

module attributes {stable_mosaic.version = 14 : i64} {
  func.func @_node_mlp_kernel(%arg0: i32, %arg1: memref<1000x131xf32, #tpu.memory_space<vmem>>, %arg2: memref<1000x128xf32, #tpu.memory_space<vmem>>, %arg3: memref<1000x128xf32, #tpu.memory_space<vmem>>, %arg4: memref<1000x128xf32, #tpu.memory_space<vmem>>, %arg5: memref<1000x128xf32, #tpu.memory_space<vmem>>, %arg6: memref<128x256xf32, #tpu.memory_space<vmem>>, %arg7: memref<16x256xf32, #tpu.memory_space<vmem>>, %arg8: memref<1x256xf32, #tpu.memory_space<vmem>>, %arg9: memref<256x128xf32, #tpu.memory_space<vmem>>, %arg10: memref<1x128xf32, #tpu.memory_space<vmem>>, %arg11: memref<1000x131xf32, #tpu.memory_space<vmem>>) attributes {dimension_semantics = [#tpu.dimension_semantics<arbitrary>], iteration_bounds = array<i64: 10>, scalar_prefetch = 0 : i64, scratch_operands = 0 : i64, tpu.core_type = #tpu.core_type<tc>, window_params = [{transform_indices = @transform_0, window_bounds = array<i64: 1000, 131>}, {transform_indices = @transform_1, window_bounds = array<i64: 1000, 128>}, {transform_indices = @transform_2, window_bounds = array<i64: 1000, 128>}, {transform_indices = @transform_3, window_bounds = array<i64: 1000, 128>}, {transform_indices = @transform_4, window_bounds = array<i64: 1000, 128>}, {pipeline_mode = #tpu.pipeline_mode<synchronous>, transform_indices = @transform_5, window_bounds = array<i64: 128, 256>}, {pipeline_mode = #tpu.pipeline_mode<synchronous>, transform_indices = @transform_6, window_bounds = array<i64: 16, 256>}, {pipeline_mode = #tpu.pipeline_mode<synchronous>, transform_indices = @transform_7, window_bounds = array<i64: 1, 256>}, {pipeline_mode = #tpu.pipeline_mode<synchronous>, transform_indices = @transform_8, window_bounds = array<i64: 256, 128>}, {pipeline_mode = #tpu.pipeline_mode<synchronous>, transform_indices = @transform_9, window_bounds = array<i64: 1, 128>}, {transform_indices = @transform_10, window_bounds = array<i64: 1000, 131>}]} {
    %get3A = arith.constant 0 : index
    %get3A_0 = arith.constant 0 : index
    %get3A_1 = vector.load %arg1[%get3A, %get3A_0] : memref<1000x131xf32, #tpu.memory_space<vmem>>, vector<1000x131xf32>
    %slice3A = vector.extract_strided_slice %get3A_1 {offsets = [0, 3], sizes = [1000, 128], strides = [1, 1]} : vector<1000x131xf32> to vector<1000x128xf32>
    %get3A_2 = arith.constant 0 : index
    %get3A_3 = arith.constant 0 : index
    %get3A_4 = vector.load %arg2[%get3A_2, %get3A_3] : memref<1000x128xf32, #tpu.memory_space<vmem>>, vector<1000x128xf32>
    %get3A_5 = arith.constant 0 : index
    %get3A_6 = arith.constant 0 : index
    %get3A_7 = vector.load %arg3[%get3A_5, %get3A_6] : memref<1000x128xf32, #tpu.memory_space<vmem>>, vector<1000x128xf32>
    %add3A = arith.addf %get3A_4, %get3A_7 : vector<1000x128xf32>
    %get3A_8 = arith.constant 0 : index
    %get3A_9 = arith.constant 0 : index
    %get3A_10 = vector.load %arg4[%get3A_8, %get3A_9] : memref<1000x128xf32, #tpu.memory_space<vmem>>, vector<1000x128xf32>
    %get3A_11 = arith.constant 0 : index
    %get3A_12 = arith.constant 0 : index
    %get3A_13 = vector.load %arg5[%get3A_11, %get3A_12] : memref<1000x128xf32, #tpu.memory_space<vmem>>, vector<1000x128xf32>
    %add3A_14 = arith.addf %get3A_10, %get3A_13 : vector<1000x128xf32>
    %add3A_15 = arith.addf %add3A, %add3A_14 : vector<1000x128xf32>
    %slice3A_16 = vector.extract_strided_slice %add3A_15 {offsets = [0, 0], sizes = [1000, 16], strides = [1, 1]} : vector<1000x128xf32> to vector<1000x16xf32>
    %slice3A_17 = vector.extract_strided_slice %add3A_15 {offsets = [0, 16], sizes = [1000, 3], strides = [1, 1]} : vector<1000x128xf32> to vector<1000x3xf32>
    %get3A_18 = arith.constant 0 : index
    %get3A_19 = arith.constant 0 : index
    %get3A_20 = vector.load %arg6[%get3A_18, %get3A_19] : memref<128x256xf32, #tpu.memory_space<vmem>>, vector<128x256xf32>
    %dot_general3A = arith.constant dense<0.000000e+00> : vector<1000x256xf32>
    %dot_general3A_21 = tpu.matmul %slice3A, %get3A_20, %dot_general3A {dimension_numbers = #tpu.dot_dimension_numbers<[1], [0], [0], [1], [0, 0, 1, 1], [], []>, transpose_lhs_hint = false} : vector<1000x128xf32>, vector<128x256xf32>, vector<1000x256xf32> -> vector<1000x256xf32>
    %get3A_22 = arith.constant 0 : index
    %get3A_23 = arith.constant 0 : index
    %get3A_24 = vector.load %arg7[%get3A_22, %get3A_23] : memref<16x256xf32, #tpu.memory_space<vmem>>, vector<16x256xf32>
    %dot_general3A_25 = arith.constant dense<0.000000e+00> : vector<1000x256xf32>
    %dot_general3A_26 = tpu.matmul %slice3A_16, %get3A_24, %dot_general3A_25 {dimension_numbers = #tpu.dot_dimension_numbers<[1], [0], [0], [1], [0, 0, 1, 1], [], []>, transpose_lhs_hint = false} : vector<1000x16xf32>, vector<16x256xf32>, vector<1000x256xf32> -> vector<1000x256xf32>
    %add3A_27 = arith.addf %dot_general3A_21, %dot_general3A_26 : vector<1000x256xf32>
    %get3A_28 = arith.constant 0 : index
    %get3A_29 = arith.constant 0 : index
    %get3A_30 = vector.load %arg8[%get3A_28, %get3A_29] : memref<1x256xf32, #tpu.memory_space<vmem>>, vector<1x256xf32>
    %add3A_31 = vector.broadcast %get3A_30 : vector<1x256xf32> to vector<1000x256xf32>
    %add3A_32 = arith.addf %add3A_27, %add3A_31 : vector<1000x256xf32>
    %logistic3A = arith.negf %add3A_32 : vector<1000x256xf32>
    %logistic3A_33 = math.exp %logistic3A : vector<1000x256xf32>
    %logistic3A_34 = arith.constant 1.000000e+00 : f32
    %logistic3A_35 = vector.broadcast %logistic3A_34 : f32 to vector<1000x256xf32>
    %logistic3A_36 = arith.addf %logistic3A_35, %logistic3A_33 : vector<1000x256xf32>
    %logistic3A_37 = arith.divf %logistic3A_35, %logistic3A_36 : vector<1000x256xf32>
    %mul3A = arith.mulf %add3A_32, %logistic3A_37 : vector<1000x256xf32>
    %get3A_38 = arith.constant 0 : index
    %get3A_39 = arith.constant 0 : index
    %get3A_40 = vector.load %arg9[%get3A_38, %get3A_39] : memref<256x128xf32, #tpu.memory_space<vmem>>, vector<256x128xf32>
    %dot_general3A_41 = arith.constant dense<0.000000e+00> : vector<1000x128xf32>
    %dot_general3A_42 = tpu.matmul %mul3A, %get3A_40, %dot_general3A_41 {dimension_numbers = #tpu.dot_dimension_numbers<[1], [0], [0], [1], [0, 0, 1, 1], [], []>, transpose_lhs_hint = false} : vector<1000x256xf32>, vector<256x128xf32>, vector<1000x128xf32> -> vector<1000x128xf32>
    %get3A_43 = arith.constant 0 : index
    %get3A_44 = arith.constant 0 : index
    %get3A_45 = vector.load %arg10[%get3A_43, %get3A_44] : memref<1x128xf32, #tpu.memory_space<vmem>>, vector<1x128xf32>
    %add3A_46 = vector.broadcast %get3A_45 : vector<1x128xf32> to vector<1000x128xf32>
    %add3A_47 = arith.addf %dot_general3A_42, %add3A_46 : vector<1000x128xf32>
    %slice3A_48 = vector.extract_strided_slice %get3A_1 {offsets = [0, 0], sizes = [1000, 3], strides = [1, 1]} : vector<1000x131xf32> to vector<1000x3xf32>
    %add3A_49 = arith.addf %slice3A_48, %slice3A_17 : vector<1000x3xf32>
    %add3A_50 = arith.addf %slice3A, %add3A_47 : vector<1000x128xf32>
    %concatenate3A = tpu.concatenate %add3A_49, %add3A_50 in 1 : vector<1000x3xf32>, vector<1000x128xf32> -> vector<1000x131xf32>
    %swap3A = arith.constant 0 : index
    %swap3A_51 = arith.constant 0 : index
    %swap3A_52 = vector.load %arg11[%swap3A, %swap3A_51] : memref<1000x131xf32, #tpu.memory_space<vmem>>, vector<1000x131xf32>
    tpu.vector_store %arg11[%swap3A, %swap3A_51], %concatenate3A {strides = array<i32>} : memref<1000x131xf32, #tpu.memory_space<vmem>>, vector<1000x131xf32>,
    return
  }
  func.func @transform_0(%arg0: i32) -> (i32, i32) {
    %c0_i32 = arith.constant 0 : i32
    %c0_i32_0 = arith.constant 0 : i32
    return %arg0, %c0_i32 : i32, i32
  }
  func.func @transform_1(%arg0: i32) -> (i32, i32) {
    %c0_i32 = arith.constant 0 : i32
    %c0_i32_0 = arith.constant 0 : i32
    return %arg0, %c0_i32 : i32, i32
  }
  func.func @transform_2(%arg0: i32) -> (i32, i32) {
    %c0_i32 = arith.constant 0 : i32
    %c0_i32_0 = arith.constant 0 : i32
    return %arg0, %c0_i32 : i32, i32
  }
  func.func @transform_3(%arg0: i32) -> (i32, i32) {
    %c0_i32 = arith.constant 0 : i32
    %c0_i32_0 = arith.constant 0 : i32
    return %arg0, %c0_i32 : i32, i32
  }
  func.func @transform_4(%arg0: i32) -> (i32, i32) {
    %c0_i32 = arith.constant 0 : i32
    %c0_i32_0 = arith.constant 0 : i32
    return %arg0, %c0_i32 : i32, i32
  }
  func.func @transform_5(%arg0: i32) -> (i32, i32) {
    %c0_i32 = arith.constant 0 : i32
    %c0_i32_0 = arith.constant 0 : i32
    %c0_i32_1 = arith.constant 0 : i32
    return %c0_i32, %c0_i32_0 : i32, i32
  }
  func.func @transform_6(%arg0: i32) -> (i32, i32) {
    %c0_i32 = arith.constant 0 : i32
    %c0_i32_0 = arith.constant 0 : i32
    %c0_i32_1 = arith.constant 0 : i32
    return %c0_i32, %c0_i32_0 : i32, i32
  }
  func.func @transform_7(%arg0: i32) -> (i32, i32) {
    %c0_i32 = arith.constant 0 : i32
    %c0_i32_0 = arith.constant 0 : i32
    %c0_i32_1 = arith.constant 0 : i32
    return %c0_i32, %c0_i32_0 : i32, i32
  }
  func.func @transform_8(%arg0: i32) -> (i32, i32) {
    %c0_i32 = arith.constant 0 : i32
    %c0_i32_0 = arith.constant 0 : i32
    %c0_i32_1 = arith.constant 0 : i32
    return %c0_i32, %c0_i32_0 : i32, i32
  }
  func.func @transform_9(%arg0: i32) -> (i32, i32) {
    %c0_i32 = arith.constant 0 : i32
    %c0_i32_0 = arith.constant 0 : i32
    %c0_i32_1 = arith.constant 0 : i32
    return %c0_i32, %c0_i32_0 : i32, i32
  }
  func.func @transform_10(%arg0: i32) -> (i32, i32) {
    %c0_i32 = arith.constant 0 : i32
    %c0_i32_0 = arith.constant 0 : i32
    return %arg0, %c0_i32 : i32, i32
  }
}

</mosaic_0001>

<sc_bundles>
// kernel: kernel.12.cloned.1.call-start
scs
__scs_entry_jumppad:
0x0: {  	(pc) =	sbr.rel $0x88, $3  }
0x1: {  	(tag) =	ssettag $0x0;
	lr =	simm.s32 $0x1  }
0x2: {  	[smem:$0x3F92] =	sst lr;
	_ =	strace $0xD0000000  }
0x3: {  	_ = 	snop  }
0x4: {  	_ = 	snop  }
0x5: {  	_ = 	snop  }
0x6: {  	_ = 	snop  }
0x7: {  	_ = 	snop  }
__scs_overlays_trampoline_lowered:
0x8: {  	[smem:$0x3FA1] =	sst s0  }
0x9: {  	[smem:$0x3FA2] =	sst s1  }
0xa: {  	[smem:$0x3FA3] =	sst s2  }
0xb: {  	[smem:$0x3FA4] =	sst s3  }
0xc: {  	[smem:$0x3FA5] =	sst s4  }
0xd: {  	[smem:$0x3FA6] =	sst s5  }
0xe: {  	[smem:$0x3FA7] =	sst s6  }
0xf: {  	[smem:$0x3FA8] =	sst s7  }
0x10: {  	[smem:$0x3FA9] =	sst s8  }
0x11: {  	[smem:$0x3FAA] =	sst s9;
	s0 =	simm.s32 @!p0 $0x0  }
0x12: {  	s1 =	sld [smem:$0x3F90];
	s0 =	simm.s32 @p0 $0x1  }
0x13: {  	[smem:$0x3FAB] =	sst s0;
	s0 =	simm.s32 @!p1 $0x0  }
0x14: {  	s2 =	sld [smem:$0x3F8F];
	s0 =	simm.s32 @p1 $0x1  }
0x15: {  	[smem:$0x3FAC] =	sst s0;
	s0 =	simm.s32 @!p2 $0x0  }
0x16: {  	s3 =	sld [smem:$0x3FDB];
	s0 =	simm.s32 @p2 $0x1  }
0x17: {  	s4 =	simm.s32 $0x1BF5;
	[smem:$0x3FAE] =	sst s0  }
0x18: {  	s0 =	sld [smem:$0x3F91];
	_ =	swait.ge [sflag:s4], $0x0  }
0x19: {  	s7 =	sld [smem:$0x3F92]  }
0x1a: {  	s8 =	sadd.s32 $0xFFFFE003, lr  }
0x1b: {  	s9 =	sadd.s32 $0xFFFFFEF7, lr;
	s5 =	simm.s32 $0xFFFFFFFF;
	p2 =	slt.u32 s8, $0xFFFFF086  }
0x1c: {  	p1 =	slt.u32 s9, $0xF7A;
	s5 =	simm.s32 @!p2 $0x0  }
0x1d: {  	s5 =	simm.s32 @p1 $0x1;
	p0 =	seq.s32 s7, s2  }
0x1e: {  	s7 =	smul.u32 @!p0 $0xF7A, s2;
	p2 =	seq.s32 @!p0 s5, $0x0  }
0x1f: {  	s9 =	smul.u32 $0xF7A, s1;
	s8 =	simm.s32 @!p0 $0x1BF5;
	p2 =	por !p2, p0  }
0x20: {  	[sflag:s8] =	ssyncset.s32 @!p0 $0xFFFFF086;
	s6 =	sadd.s32 @!p0 s3, s7;
	s7 =	simm.s32 @!p0 $0x108  }
0x21: {  	s3 =	sadd.s32 s3, s9;
	s6 =	sadd.s32 @!p0 $0x88, s6;
	s7 =	simm.s32 @p2 $0x1082  }
0x22: {  	[simem:s7], [sflag:s8] =	dma.local @!p0 [hbm:s6], $0xF7A  }
0x23: {  	s9 =	sor.u32 $0xD0000000, s2;
	s6 =	simm.s32 $0x108;
	_ =	swait.ge @!p0 [sflag:s8], $0x0  }
0x24: {  	s3 =	sadd.s32 $0x88, s3;
	s6 =	simm.s32 @!p1 $0x1082;
	[sflag:s4] =	ssyncset.s32 $0xFFFFF086  }
0x25: {  	[simem:s6], [sflag:s4] =	dma.local [hbm:s3], $0xF7A  }
0x26: {  	[smem:$0x3F92] =	sst s1;
	(tag) =	ssettag s2;
	_ =	strace s9  }
0x27: {  	s1 =	sld [smem:$0x3FA2]  }
0x28: {  	s2 =	sld [smem:$0x3FA3]  }
0x29: {  	s4 =	sld [smem:$0x3FA5]  }
0x2a: {  	p0 =	seq.s32 s5, $0x0;
	s5 =	sld [smem:$0x3FA6]  }
0x2b: {  	s6 =	sld [smem:$0x3FA7]  }
0x2c: {  	s7 =	sld [smem:$0x3FA8]  }
0x2d: {  	s3 =	simm.s32 $0x108;
	s8 =	sld [smem:$0x3FA9]  }
0x2e: {  	s3 =	simm.s32 @!p0 $0x1082;
	s9 =	sld [smem:$0x3FAA]  }
0x2f: {  	lr =	sadd.s32 s0, s3;
	s0 =	sld [smem:$0x3FA1]  }
0x30: {  	s3 =	sld [smem:$0x3FA4]  }
0x31: {  	[smem:$0x3FAD] =	sst s10  }
0x32: {  	s10 =	sld [smem:$0x3FAB];
	_ =	sdelay $0x3  }
0x33: {  	p0 =	seq.s32 s10, $0x1;
	s10 =	sld [smem:$0x3FAD];
	_ =	sdelay $0x3  }
0x34: {  	[smem:$0x3FAD] =	sst s10  }
0x35: {  	s10 =	sld [smem:$0x3FAC];
	_ =	sdelay $0x3  }
0x36: {  	p1 =	seq.s32 s10, $0x1;
	s10 =	sld [smem:$0x3FAD];
	_ =	sdelay $0x3  }
0x37: {  	[smem:$0x3FAD] =	sst s10  }
0x38: {  	s10 =	sld [smem:$0x3FAE]  }
0x39: {  	_ = 	snop;
	(pc) =	sbr.ind lr, $3  }
0x3a: {  	_ = 	snop  }
0x3b: {  	_ = 	snop  }
0x3c: {  	p2 =	seq.s32 s10, $0x1;
	s10 =	sld [smem:$0x3FAD]  }
0x3d: {  	_ =	shalt  }
0x3e: {  	_ =	shalt  }
0x3f: {  	_ =	shalt  }
0x40: {  	_ =	shalt  }
0x41: {  	_ =	shalt  }
0x42: {  	_ =	shalt  }
0x43: {  	_ =	shalt  }
0x44: {  	_ =	shalt  }
0x45: {  	_ =	shalt  }
0x46: {  	_ =	shalt  }
0x47: {  	_ =	shalt  }
0x48: {  	_ =	shalt  }
0x49: {  	_ =	shalt  }
0x4a: {  	_ =	shalt  }
0x4b: {  	_ =	shalt  }
0x4c: {  	_ =	shalt  }
0x4d: {  	_ =	shalt  }
0x4e: {  	_ =	shalt  }
0x4f: {  	_ =	shalt  }
0x50: {  	_ =	shalt  }
0x51: {  	_ =	shalt  }
0x52: {  	_ =	shalt  }
0x53: {  	_ =	shalt  }
0x54: {  	_ =	shalt  }
0x55: {  	_ =	shalt  }
0x56: {  	_ =	shalt  }
0x57: {  	_ =	shalt  }
0x58: {  	_ =	shalt  }
0x59: {  	_ =	shalt  }
0x5a: {  	_ =	shalt  }
0x5b: {  	_ =	shalt  }
0x5c: {  	_ =	shalt  }
0x5d: {  	_ =	shalt  }
0x5e: {  	_ =	shalt  }
0x5f: {  	_ =	shalt  }
0x60: {  	_ =	shalt  }
0x61: {  	_ =	shalt  }
0x62: {  	_ =	shalt  }
0x63: {  	_ =	shalt  }
0x64: {  	_ =	shalt  }
0x65: {  	_ =	shalt  }
0x66: {  	_ =	shalt  }
0x67: {  	_ =	shalt  }
0x68: {  	_ =	shalt  }
0x69: {  	_ =	shalt  }
0x6a: {  	_ =	shalt  }
0x6b: {  	_ =	shalt  }
0x6c: {  	_ =	shalt  }
0x6d: {  	_ =	shalt  }
0x6e: {  	_ =	shalt  }
0x6f: {  	_ =	shalt  }
0x70: {  	_ =	shalt  }
0x71: {  	_ =	shalt  }
0x72: {  	_ =	shalt  }
0x73: {  	_ =	shalt  }
0x74: {  	_ =	shalt  }
0x75: {  	_ =	shalt  }
0x76: {  	_ =	shalt  }
0x77: {  	_ =	shalt  }
0x78: {  	_ =	shalt  }
0x79: {  	_ =	shalt  }
0x7a: {  	_ =	shalt  }
0x7b: {  	_ =	shalt  }
0x7c: {  	_ =	shalt  }
0x7d: {  	_ =	shalt  }
0x7e: {  	_ =	shalt  }
0x7f: {  	_ =	shalt  }
0x80: {  	_ =	shalt  }
0x81: {  	_ =	shalt  }
0x82: {  	_ =	shalt  }
0x83: {  	_ =	shalt  }
0x84: {  	_ =	shalt  }
0x85: {  	_ =	shalt  }
0x86: {  	_ =	shalt  }
0x87: {  	_ =	shalt  }
.Lfunc_end0:
.L_simem_size_0:
called_computation.1_lowered:
.L_overlay_start_0:
0x88: {  	s2 =	sld [smem:$0x3FD9]  }
0x89: {  	s3 =	sld [smem:$0x3FFE];
	_ =	sdelay $0x1  }
0x8a: {  	s1 =	srdreg.scid  }
0x8b: {  	s0 =	sand.u32 $0x1, s1  }
0x8c: {  	s17 =	sshll.u32 s0, $0xA;
	s2 =	sadd.s32 s3, s2  }
0x8d: {  	s2 =	sadd.s32 s2, s17  }
0x8e: {  	[smem:$0x3FB9] =	sst s2  }
0x8f: {  	_ = 	snop  }
0x90: {  	s18 =	sld [smem:$0x3FD0];
	(tm) =	ssettm $0x1  }
0x91: {  	s19 =	sld [smem:$0x3FFB];
	_ =	sdelay $0x3  }
0x92: {  	_ =	strace s19  }
0x93: {  	s2 =	sld [smem:$0x3FFC];
	_ =	sdelay $0x3  }
0x94: {  	_ =	strace s2  }
0x95: {  	s2 =	sld [smem:$0x3FFD];
	_ =	sdelay $0x3  }
0x96: {  	_ =	strace s2  }
0x97: {  	_ =	strace $0x8FFFFFFF  }
0x98: {  	s20 =	sld [smem:$0x3FDB];
	_ =	sdelay $0x1  }
0x99: {  	s4 =	simm.s32 $_scs_section_size  }
0x9a: {  	s5 =	simm.s32 $_size__tile_overlayer_lowered;
	s6 =	simm.s32 $_tile_overlayer_lowered  }
0x9b: {  	s7 =	simm.s32 $0x1BFF;
	s21 =	sshll.u32 s6, $0x1;
	s4 =	sadd.s32 s4, s20  }
0x9c: {  	s22 =	simm.s32 $0x0;
	s5 =	sshll.u32 s5, $0x1;
	s6 =	sadd.s32 s21, s4  }
0x9d: {  	[timem:s22], [sflag:s7] =	dma.local [hbm:s6], s5  }
0x9e: {  	_ =	swait.ge [sflag:s7], s5  }
0x9f: {  	s5 =	ssub.s32 $0x0, s5;
	[sflag:s7] =	ssyncset.done $0x0  }
0xa0: {  	[sflag:s7] =	ssyncadd.s32 s5;
	_ =	sdelay $0x1  }
0xa1: {  	s23 =	simm.s32 $0x1B8B  }
0xa2: {  	_ =	swait.ge [sflag:s23], $0x1  }
0xa3: {  	[sflag:s23] =	ssyncset.done $0x0  }
0xa4: {  	[sflag:s23] =	ssyncadd.s32 $0xFFFFFFFF  }
0xa5: {  	s5 =	sld [smem:$0x0]  }
0xa6: {  	s6 =	sand.u32 $0xFFFFFFFE, s1  }
0xa7: {  	p0 =	sne.s32 s1, s6  }
0xa8: {  	s6 =	sshll.u32 @p0 s6, $0xE  }
0xa9: {  	s6 =	sadd.s32 @p0 $0x11B8D, s6;
	s7 =	sshll.u32 @p0 s5, $0x11  }
0xaa: {  	s6 =	sor.u32 @p0 s7, s6  }
0xab: {  	[sflag:s6] =	ssyncadd.remote.s32 @p0 $0x1;
	_ =	sdelay $0x1  }
0xac: {  	s6 =	simm.s32 @p0 $0x1B8D  }
0xad: {  	_ =	swait.eq @p0 [sflag:s6], $0x1  }
0xae: {  	[sflag:s6] =	ssyncadd.s32 @p0 $0xFFFFFFFF  }
0xaf: {  	s7 =	sshll.u32 @!p0 s1, $0xE  }
0xb0: {  	s7 =	sor.u32 @!p0 $0x4000, s7;
	s6 =	simm.s32 @!p0 $0x1B8D  }
0xb1: {  	s5 =	sshll.u32 @!p0 s5, $0x11;
	s7 =	sadd.s32 @!p0 $0x11B8D, s7;
	_ =	swait.eq @!p0 [sflag:s6], $0x1  }
0xb2: {  	s5 =	sor.u32 @!p0 s5, s7;
	[sflag:s6] =	ssyncadd.s32 @!p0 $0xFFFFFFFF  }
0xb3: {  	s25 =	simm.s32 $0x1B8E;
	s24 =	sld [smem:$0x3FFE];
	[sflag:s5] =	ssyncadd.remote.s32 @!p0 $0x1  }
0xb4: {  	s26 =	simm.s32 $execute0_lowered;
	[smem:$0x3FD2] =	sst s25  }
0xb5: {  	s6 =	sshll.u32 s26, $0x1;
	_ =	strace $0x80000049;
	[dreg:$0x1] =	wrdreg $0xFFFFFFFF  }
0xb6: {  	s28 =	simm.s32 $_size_execute0_lowered;
	s4 =	sadd.s32 s4, s6;
	[dreg:$0x0] =	wrdreg $0x0  }
0xb7: {  	s6 =	sshll.u32 s28, $0x1;
	[dreg:$0x2] =	wrdreg s4  }
0xb8: {  	[dreg:$0x3] =	wrdreg s6  }
0xb9: {  	[dreg:$0x4] =	wrdreg $0xC0  }
0xba: {  	_ =	task [dreg:s22], $0x5FFFF  }
0xbb: {  	[dreg:$0x1] =	wrdreg $0xFFFFFFFF  }
0xbc: {  	[dreg:$0x0] =	wrdreg $0x60  }
0xbd: {  	[dreg:$0x2] =	wrdreg s24  }
0xbe: {  	[dreg:$0x3] =	wrdreg s18  }
0xbf: {  	[dreg:$0x4] =	wrdreg $0x9  }
0xc0: {  	_ =	task.clear_ibuf [dreg:s22], $0x5FFFF;
	_ =	strace $0x90000049  }
0xc1: {  	s29 =	simm.s32 $0x9;
	_ =	strace $0x8000004B  }
0xc2: {  	_ =	swait.ge [sflag:s29], $0x1  }
0xc3: {  	[sflag:s29] =	ssyncadd.s32 $0xFFFFFFFF  }
0xc4: {  	_ =	strace $0x9000004B  }
0xc5: {  	_ =	sfence  }
0xc6: {  	s30 =	sld [smem:$0x0];
	_ =	sdelay $0x2  }
0xc7: {  	s31 =	sshll.u32 s1, $0xD;
	s1 =	sshrl.u32 s1, $0x2  }
0xc8: {  	s4 =	sand.u32 $0x4000, s31;
	s1 =	sadd.s32 s1, s30  }
0xc9: {  	s0 =	sor.u32 s4, s0;
	s1 =	sshll.u32 s1, $0x11  }
0xca: {  	s0 =	sor.u32 s1, s0  }
0xcb: {  	s0 =	sadd.s32 $0x8F2B, s0  }
0xcc: {  	[sflag:s0] =	ssyncadd.remote.s32 $0x1  }
0xcd: {  	_ =	sfence.sel $0xFFFF  }
0xce: {  	[dreg:$0x0] =	wrdreg $0xFFFFFFFF;
	(pc) =	sbr.abs _section_cstart, $3  }
0xcf: {  	[dreg:$0x1] =	wrdreg $0xFFFFFFFF  }
0xd0: {  	_ =	task.clear_ibuf [dreg:s22], $0x2FFFF;
	_ =	strace $0x9FFFFFFF  }
0xd1: {  	(tm) =	ssettm $0x7FFFFFFF  }
tec
execute0_lowered:
.L_overlay_start_1:
0x0: {  	(tag) =	ssettag $0x1  }
0x1: {  	s4 =	rddreg [dreg:$0x0];
	s1 =	srdreg.scid  }
0x2: {  	s0 =	stileid.u32;
	s2 =	rddreg [dreg:$0x1]  }
0x3: {  	s3 =	simm.s32 $0x0;
	s10 =	simm.s32 $0x100;
	s11 =	simm.s32 $0xC8  }
0x4: {  	s12 =	simm.s32 $0x200;
	s13 =	simm.s32 $0x6600;
	s6 =	smul.u32 $0x2710, s0  }
0x5: {  	s14 =	simm.s32 $0x1;
	s5 =	sand.u32 $0x1, s1;
	s8 =	smul.u32 $0x27100, s0  }
0x6: {  	s15 =	simm.s32 $0x2;
	s1 =	rddreg [dreg:$0x2];
	s7 =	smul.u32 $0x1388, s5  }
0x7: {  	s16 =	simm.s32 $0x0;
	[smem:$0x7FF] =	sst s3;
	s9 =	smul.u32 $0x13880, s5  }
0x8: {  	_ =	strace $0x8000004A;
	s5 =	ssub.s32 $0x2, s5;
	s29 =	sadd.s32 s8, s4  }
0x9: {  	s30 =	sshrl.u32 s5, $0x1;
	s6 =	sadd.s32 s7, s6;
	s7 =	sadd.s32 s9, s29  }
0xa: {  	s5 =	ssub.s32 s5, s30;
	s9 =	simm.s32 $0x3;
	s6 =	sshrl.u32 s6, $0x3  }
0xb: {  	s5 =	smax.u32 s5, $0x1;
	s31 =	sadd.s32 s6, s4;
	s4 =	sadd.s32 $0x4F8400, s7  }
0xc: {  	s6 =	sadd.s32 $0x769400, s7;
	s7 =	sadd.s32 $0x11400, s31;
	s8 =	sadd.s32 $0x7400, s31  }
.LBB2_1:
0xd: {  	s17 =	sadd.s32 $0x0, s8  }
0xe: {  	[tilespmem:s3], [sflag:$0x3] =	stream.linear.gather [hbm4b:s17+s3], $0xC8, $0x38;
	[tilespmem:$0xCA00] =	vst v63  }
0xf: {  	_ =	swait.ge [sflag:s9], $0xC8  }
0x10: {  	[sflag:s9] =	ssyncset.done $0x0  }
0x11: {  	s31 =	sadd.s32 $0x0, s7;
	[sflag:s9] =	ssyncadd.s32 $0xFFFFFF38  }
0x12: {  	[tilespmem:s10], [sflag:$0x3] =	stream.linear.gather [hbm4b:s31+s3], $0xC8, $0x38;
	[tilespmem:$0xCA00] =	vst v63  }
0x13: {  	_ =	swait.ge [sflag:s9], $0xC8  }
0x14: {  	[sflag:s9] =	ssyncset.done $0x0  }
0x15: {  	[sflag:s9] =	ssyncadd.s32 $0xFFFFFF38  }
0x16: {  	[tilespmem:s12], [sflag:$0x1] =	stream.indirect.gather [hbm4b:s2+s11], $0x80, s3, s11, $0xb8;
	[tilespmem:$0xCA00] =	vst v63  }
0x17: {  	_ = 	snop  }
0x18: {  	[tilespmem:s13], [sflag:$0x2] =	stream.indirect.gather [hbm4b:s2+s11], $0x80, s10, s11, $0xb8;
	[tilespmem:$0xCA00] =	vst v63  }
0x19: {  	_ =	swait.ge [sflag:s14], $0x6400  }
0x1a: {  	[sflag:s14] =	ssyncset.done $0x0  }
0x1b: {  	[sflag:s14] =	ssyncadd.s32 $0xFFFF9C00  }
0x1c: {  	[hbm4b:s4+s3] =	stream.linear.scatter [tilespmem:s12], [sflag:$0x3], $0x6400, $0x38;
	[tilespmem:$0xCA00] =	vst v63  }
0x1d: {  	_ =	swait.ge [sflag:s9], $0x6400  }
0x1e: {  	[sflag:s9] =	ssyncset.done $0x0  }
0x1f: {  	[sflag:s9] =	ssyncadd.s32 $0xFFFF9C00  }
0x20: {  	_ =	swait.ge [sflag:s15], $0x6400  }
0x21: {  	[sflag:s15] =	ssyncset.done $0x0  }
0x22: {  	[sflag:s15] =	ssyncadd.s32 $0xFFFF9C00  }
0x23: {  	[hbm4b:s6+s3] =	stream.linear.scatter [tilespmem:s13], [sflag:$0x3], $0x6400, $0x38;
	[tilespmem:$0xCA00] =	vst v63  }
0x24: {  	s19 =	simm.s32 $0x19;
	s20 =	simm.s32 $0x32;
	_ =	swait.ge [sflag:s9], $0x6400  }
0x25: {  	s18 =	sadd.s32 $0xC80, s4;
	s17 =	sadd.s32 $0xC80, s6;
	[sflag:s9] =	ssyncset.done $0x0  }
.LBB2_2:
0x26: {  	s21 =	sadd.s32 s19, s8  }
0x27: {  	[sflag:s9] =	ssyncadd.s32 $0xFFFF9C00;
	s22 =	smov.u32 s20;
	s23 =	sadd.s32 $0x19, s20  }
0x28: {  	[tilespmem:s3], [sflag:$0x3] =	stream.linear.gather [hbm4b:s21+s3], $0xC8, $0x38;
	[tilespmem:$0xCA00] =	vst v63  }
0x29: {  	p0 =	sne.s32 s20, $0x258;
	_ =	swait.ge [sflag:s9], $0xC8  }
0x2a: {  	[sflag:s9] =	ssyncset.done $0x0  }
0x2b: {  	s20 =	sadd.s32 s19, s7;
	s19 =	smov.u32 s22;
	[sflag:s9] =	ssyncadd.s32 $0xFFFFFF38  }
0x2c: {  	[tilespmem:s10], [sflag:$0x3] =	stream.linear.gather [hbm4b:s20+s3], $0xC8, $0x38;
	[tilespmem:$0xCA00] =	vst v63  }
0x2d: {  	_ =	swait.ge [sflag:s9], $0xC8  }
0x2e: {  	[sflag:s9] =	ssyncset.done $0x0  }
0x2f: {  	[sflag:s9] =	ssyncadd.s32 $0xFFFFFF38  }
0x30: {  	[tilespmem:s12], [sflag:$0x1] =	stream.indirect.gather [hbm4b:s2+s11], $0x80, s3, s11, $0xb8;
	[tilespmem:$0xCA00] =	vst v63  }
0x31: {  	_ = 	snop  }
0x32: {  	[tilespmem:s13], [sflag:$0x2] =	stream.indirect.gather [hbm4b:s2+s11], $0x80, s10, s11, $0xb8;
	[tilespmem:$0xCA00] =	vst v63  }
0x33: {  	_ =	swait.ge [sflag:s14], $0x6400  }
0x34: {  	[sflag:s14] =	ssyncset.done $0x0  }
0x35: {  	[sflag:s14] =	ssyncadd.s32 $0xFFFF9C00  }
0x36: {  	[hbm4b:s18+s3] =	stream.linear.scatter [tilespmem:s12], [sflag:$0x3], $0x6400, $0x38;
	[tilespmem:$0xCA00] =	vst v63  }
0x37: {  	_ =	swait.ge [sflag:s9], $0x6400  }
0x38: {  	[sflag:s9] =	ssyncset.done $0x0  }
0x39: {  	[sflag:s9] =	ssyncadd.s32 $0xFFFF9C00  }
0x3a: {  	_ =	swait.ge [sflag:s15], $0x6400  }
.Ltmp0:
0x3b: {  	[sflag:s15] =	ssyncset.done $0x0;
	(pc) =	sbr.rel @p0 .LBB2_2-.Ltmp0, $4  }
0x3c: {  	[sflag:s15] =	ssyncadd.s32 $0xFFFF9C00  }
0x3d: {  	[hbm4b:s17+s3] =	stream.linear.scatter [tilespmem:s13], [sflag:$0x3], $0x6400, $0x38;
	[tilespmem:$0xCA00] =	vst v63  }
0x3e: {  	s20 =	smov.u32 s23;
	_ =	swait.ge [sflag:s9], $0x6400  }
0x3f: {  	s18 =	sadd.s32 $0xC80, s18;
	s17 =	sadd.s32 $0xC80, s17;
	[sflag:s9] =	ssyncset.done $0x0  }
0x40: {  	s20 =	sadd.s32 s19, s8;
	[sflag:s9] =	ssyncadd.s32 $0xFFFF9C00  }
0x41: {  	[tilespmem:s3], [sflag:$0x3] =	stream.linear.gather [hbm4b:s20+s3], $0xC8, $0x38;
	[tilespmem:$0xCA00] =	vst v63  }
0x42: {  	_ =	swait.ge [sflag:s9], $0xC8  }
0x43: {  	[sflag:s9] =	ssyncset.done $0x0  }
0x44: {  	s31 =	sadd.s32 s19, s7;
	[sflag:s9] =	ssyncadd.s32 $0xFFFFFF38  }
0x45: {  	[tilespmem:s10], [sflag:$0x3] =	stream.linear.gather [hbm4b:s31+s3], $0xC8, $0x38;
	[tilespmem:$0xCA00] =	vst v63  }
0x46: {  	_ =	swait.ge [sflag:s9], $0xC8  }
0x47: {  	[sflag:s9] =	ssyncset.done $0x0  }
0x48: {  	[sflag:s9] =	ssyncadd.s32 $0xFFFFFF38  }
0x49: {  	[tilespmem:s12], [sflag:$0x1] =	stream.indirect.gather [hbm4b:s2+s11], $0x80, s3, s11, $0xb8;
	[tilespmem:$0xCA00] =	vst v63  }
0x4a: {  	_ = 	snop  }
0x4b: {  	[tilespmem:s13], [sflag:$0x2] =	stream.indirect.gather [hbm4b:s2+s11], $0x80, s10, s11, $0xb8;
	[tilespmem:$0xCA00] =	vst v63  }
0x4c: {  	_ =	swait.ge [sflag:s14], $0x6400  }
0x4d: {  	[sflag:s14] =	ssyncset.done $0x0  }
0x4e: {  	[sflag:s14] =	ssyncadd.s32 $0xFFFF9C00  }
0x4f: {  	[hbm4b:s18+s3] =	stream.linear.scatter [tilespmem:s12], [sflag:$0x3], $0x6400, $0x38;
	[tilespmem:$0xCA00] =	vst v63  }
0x50: {  	_ =	swait.ge [sflag:s9], $0x6400  }
0x51: {  	[sflag:s9] =	ssyncset.done $0x0  }
0x52: {  	[sflag:s9] =	ssyncadd.s32 $0xFFFF9C00  }
0x53: {  	s16 =	sadd.s32 $0x1, s16;
	_ =	swait.ge [sflag:s15], $0x6400  }
0x54: {  	p0 =	sne.s32 s16, s5;
	[sflag:s15] =	ssyncset.done $0x0  }
.Ltmp1:
0x55: {  	[sflag:s15] =	ssyncadd.s32 $0xFFFF9C00;
	(pc) =	sbr.rel @p0 .LBB2_1-.Ltmp1, $4  }
0x56: {  	[hbm4b:s17+s3] =	stream.linear.scatter [tilespmem:s13], [sflag:$0x3], $0x6400, $0x38;
	[tilespmem:$0xCA00] =	vst v63  }
0x57: {  	_ =	swait.ge [sflag:s9], $0x6400  }
0x58: {  	[sflag:s9] =	ssyncset.done $0x0  }
0x59: {  	[sflag:s9] =	ssyncadd.s32 $0xFFFF9C00  }
0x5a: {  	_ =	sfence.sel $0x180000  }
0x5b: {  	[bflag:$0x0] =	sbarrier.arrive $0xFFFF  }
0x5c: {  	p0 =	sne.s32 s0, $0x0;
	_ =	strace $0x9000004A  }
0x5d: {  	s0 =	sadd.s32 @!p0 $0x100000, s1;
	[bflag:$0x2] =	sbarrier.arrive $0xFFFF  }
0x5e: {  	[sflag:s0] =	ssyncadd.tile.s32 @!p0 $0x1;
	_ =	shalt  }
.Lfunc_end2:
_tile_overlayer_lowered:
.L_overlay_start_2:
0x5f: {  	(tag) =	ssettag $0x2  }
0x60: {  	s0 =	rddreg [dreg:$0x0];
	s2 =	stileid.u32  }
0x61: {  	s1 =	rddreg [dreg:$0x1];
	p0 =	sne.s32 s2, $0x0  }
0x62: {  	s3 =	rddreg [dreg:$0x2];
	[bflag:$0x3] =	sbarrier.arrive $0xFFFF;
	s2 =	simm.s32 @!p0 $0x1C03  }
0x63: {  	[timem:s3], [sflag:s2] =	dma.local @!p0 [hbm:s0], s1  }
0x64: {  	s0 =	simm.s32 @!p0 $0x3  }
0x65: {  	_ =	swait.ge @!p0 [sflag:s0], s1  }
0x66: {  	s1 =	ssub.s32 @!p0 $0x0, s1;
	[sflag:s0] =	ssyncset.done @!p0 $0x0  }
0x67: {  	[sflag:s0] =	ssyncadd.s32 @!p0 s1  }
0x68: {  	[bflag:$0x3] =	sbarrier.arrive $0xFFFF  }
0x69: {  	_ =	shalt  }

// kernel: kernel.15.cloned.1.call-start
scs
__scs_entry_jumppad:
0x0: {  	(pc) =	sbr.rel $0x88, $3  }
0x1: {  	(tag) =	ssettag $0x0;
	lr =	simm.s32 $0x1  }
0x2: {  	[smem:$0x3F92] =	sst lr;
	_ =	strace $0xD0000000  }
0x3: {  	_ = 	snop  }
0x4: {  	_ = 	snop  }
0x5: {  	_ = 	snop  }
0x6: {  	_ = 	snop  }
0x7: {  	_ = 	snop  }
__scs_overlays_trampoline_lowered:
0x8: {  	[smem:$0x3FA1] =	sst s0  }
0x9: {  	[smem:$0x3FA2] =	sst s1  }
0xa: {  	[smem:$0x3FA3] =	sst s2  }
0xb: {  	[smem:$0x3FA4] =	sst s3  }
0xc: {  	[smem:$0x3FA5] =	sst s4  }
0xd: {  	[smem:$0x3FA6] =	sst s5  }
0xe: {  	[smem:$0x3FA7] =	sst s6  }
0xf: {  	[smem:$0x3FA8] =	sst s7  }
0x10: {  	[smem:$0x3FA9] =	sst s8  }
0x11: {  	[smem:$0x3FAA] =	sst s9;
	s0 =	simm.s32 @!p0 $0x0  }
0x12: {  	s1 =	sld [smem:$0x3F90];
	s0 =	simm.s32 @p0 $0x1  }
0x13: {  	[smem:$0x3FAB] =	sst s0;
	s0 =	simm.s32 @!p1 $0x0  }
0x14: {  	s2 =	sld [smem:$0x3F8F];
	s0 =	simm.s32 @p1 $0x1  }
0x15: {  	[smem:$0x3FAC] =	sst s0;
	s0 =	simm.s32 @!p2 $0x0  }
0x16: {  	s3 =	sld [smem:$0x3FDB];
	s0 =	simm.s32 @p2 $0x1  }
0x17: {  	s4 =	simm.s32 $0x1BF5;
	[smem:$0x3FAE] =	sst s0  }
0x18: {  	s0 =	sld [smem:$0x3F91];
	_ =	swait.ge [sflag:s4], $0x0  }
0x19: {  	s7 =	sld [smem:$0x3F92]  }
0x1a: {  	s8 =	sadd.s32 $0xFFFFE003, lr  }
0x1b: {  	s9 =	sadd.s32 $0xFFFFFEF7, lr;
	s5 =	simm.s32 $0xFFFFFFFF;
	p2 =	slt.u32 s8, $0xFFFFF086  }
0x1c: {  	p1 =	slt.u32 s9, $0xF7A;
	s5 =	simm.s32 @!p2 $0x0  }
0x1d: {  	s5 =	simm.s32 @p1 $0x1;
	p0 =	seq.s32 s7, s2  }
0x1e: {  	s7 =	smul.u32 @!p0 $0xF7A, s2;
	p2 =	seq.s32 @!p0 s5, $0x0  }
0x1f: {  	s9 =	smul.u32 $0xF7A, s1;
	s8 =	simm.s32 @!p0 $0x1BF5;
	p2 =	por !p2, p0  }
0x20: {  	[sflag:s8] =	ssyncset.s32 @!p0 $0xFFFFF086;
	s6 =	sadd.s32 @!p0 s3, s7;
	s7 =	simm.s32 @!p0 $0x108  }
0x21: {  	s3 =	sadd.s32 s3, s9;
	s6 =	sadd.s32 @!p0 $0x88, s6;
	s7 =	simm.s32 @p2 $0x1082  }
0x22: {  	[simem:s7], [sflag:s8] =	dma.local @!p0 [hbm:s6], $0xF7A  }
0x23: {  	s9 =	sor.u32 $0xD0000000, s2;
	s6 =	simm.s32 $0x108;
	_ =	swait.ge @!p0 [sflag:s8], $0x0  }
0x24: {  	s3 =	sadd.s32 $0x88, s3;
	s6 =	simm.s32 @!p1 $0x1082;
	[sflag:s4] =	ssyncset.s32 $0xFFFFF086  }
0x25: {  	[simem:s6], [sflag:s4] =	dma.local [hbm:s3], $0xF7A  }
0x26: {  	[smem:$0x3F92] =	sst s1;
	(tag) =	ssettag s2;
	_ =	strace s9  }
0x27: {  	s1 =	sld [smem:$0x3FA2]  }
0x28: {  	s2 =	sld [smem:$0x3FA3]  }
0x29: {  	s4 =	sld [smem:$0x3FA5]  }
0x2a: {  	p0 =	seq.s32 s5, $0x0;
	s5 =	sld [smem:$0x3FA6]  }
0x2b: {  	s6 =	sld [smem:$0x3FA7]  }
0x2c: {  	s7 =	sld [smem:$0x3FA8]  }
0x2d: {  	s3 =	simm.s32 $0x108;
	s8 =	sld [smem:$0x3FA9]  }
0x2e: {  	s3 =	simm.s32 @!p0 $0x1082;
	s9 =	sld [smem:$0x3FAA]  }
0x2f: {  	lr =	sadd.s32 s0, s3;
	s0 =	sld [smem:$0x3FA1]  }
0x30: {  	s3 =	sld [smem:$0x3FA4]  }
0x31: {  	[smem:$0x3FAD] =	sst s10  }
0x32: {  	s10 =	sld [smem:$0x3FAB];
	_ =	sdelay $0x3  }
0x33: {  	p0 =	seq.s32 s10, $0x1;
	s10 =	sld [smem:$0x3FAD];
	_ =	sdelay $0x3  }
0x34: {  	[smem:$0x3FAD] =	sst s10  }
0x35: {  	s10 =	sld [smem:$0x3FAC];
	_ =	sdelay $0x3  }
0x36: {  	p1 =	seq.s32 s10, $0x1;
	s10 =	sld [smem:$0x3FAD];
	_ =	sdelay $0x3  }
0x37: {  	[smem:$0x3FAD] =	sst s10  }
0x38: {  	s10 =	sld [smem:$0x3FAE]  }
0x39: {  	_ = 	snop;
	(pc) =	sbr.ind lr, $3  }
0x3a: {  	_ = 	snop  }
0x3b: {  	_ = 	snop  }
0x3c: {  	p2 =	seq.s32 s10, $0x1;
	s10 =	sld [smem:$0x3FAD]  }
0x3d: {  	_ =	shalt  }
0x3e: {  	_ =	shalt  }
0x3f: {  	_ =	shalt  }
0x40: {  	_ =	shalt  }
0x41: {  	_ =	shalt  }
0x42: {  	_ =	shalt  }
0x43: {  	_ =	shalt  }
0x44: {  	_ =	shalt  }
0x45: {  	_ =	shalt  }
0x46: {  	_ =	shalt  }
0x47: {  	_ =	shalt  }
0x48: {  	_ =	shalt  }
0x49: {  	_ =	shalt  }
0x4a: {  	_ =	shalt  }
0x4b: {  	_ =	shalt  }
0x4c: {  	_ =	shalt  }
0x4d: {  	_ =	shalt  }
0x4e: {  	_ =	shalt  }
0x4f: {  	_ =	shalt  }
0x50: {  	_ =	shalt  }
0x51: {  	_ =	shalt  }
0x52: {  	_ =	shalt  }
0x53: {  	_ =	shalt  }
0x54: {  	_ =	shalt  }
0x55: {  	_ =	shalt  }
0x56: {  	_ =	shalt  }
0x57: {  	_ =	shalt  }
0x58: {  	_ =	shalt  }
0x59: {  	_ =	shalt  }
0x5a: {  	_ =	shalt  }
0x5b: {  	_ =	shalt  }
0x5c: {  	_ =	shalt  }
0x5d: {  	_ =	shalt  }
0x5e: {  	_ =	shalt  }
0x5f: {  	_ =	shalt  }
0x60: {  	_ =	shalt  }
0x61: {  	_ =	shalt  }
0x62: {  	_ =	shalt  }
0x63: {  	_ =	shalt  }
0x64: {  	_ =	shalt  }
0x65: {  	_ =	shalt  }
0x66: {  	_ =	shalt  }
0x67: {  	_ =	shalt  }
0x68: {  	_ =	shalt  }
0x69: {  	_ =	shalt  }
0x6a: {  	_ =	shalt  }
0x6b: {  	_ =	shalt  }
0x6c: {  	_ =	shalt  }
0x6d: {  	_ =	shalt  }
0x6e: {  	_ =	shalt  }
0x6f: {  	_ =	shalt  }
0x70: {  	_ =	shalt  }
0x71: {  	_ =	shalt  }
0x72: {  	_ =	shalt  }
0x73: {  	_ =	shalt  }
0x74: {  	_ =	shalt  }
0x75: {  	_ =	shalt  }
0x76: {  	_ =	shalt  }
0x77: {  	_ =	shalt  }
0x78: {  	_ =	shalt  }
0x79: {  	_ =	shalt  }
0x7a: {  	_ =	shalt  }
0x7b: {  	_ =	shalt  }
0x7c: {  	_ =	shalt  }
0x7d: {  	_ =	shalt  }
0x7e: {  	_ =	shalt  }
0x7f: {  	_ =	shalt  }
0x80: {  	_ =	shalt  }
0x81: {  	_ =	shalt  }
0x82: {  	_ =	shalt  }
0x83: {  	_ =	shalt  }
0x84: {  	_ =	shalt  }
0x85: {  	_ =	shalt  }
0x86: {  	_ =	shalt  }
0x87: {  	_ =	shalt  }
.Lfunc_end0:
.L_simem_size_0:
called_computation.2_lowered:
.L_overlay_start_0:
0x88: {  	s2 =	sld [smem:$0x3FD9]  }
0x89: {  	s3 =	sld [smem:$0x3FFE];
	_ =	sdelay $0x1  }
0x8a: {  	s1 =	srdreg.scid  }
0x8b: {  	s0 =	sand.u32 $0x1, s1  }
0x8c: {  	s17 =	sshll.u32 s0, $0xA;
	s2 =	sadd.s32 s3, s2  }
0x8d: {  	s2 =	sadd.s32 s2, s17  }
0x8e: {  	[smem:$0x3FB9] =	sst s2  }
0x8f: {  	_ = 	snop  }
0x90: {  	(tm) =	ssettm $0x1  }
0x91: {  	s18 =	sld [smem:$0x3FFB];
	_ =	sdelay $0x3  }
0x92: {  	_ =	strace s18  }
0x93: {  	s2 =	sld [smem:$0x3FFC];
	_ =	sdelay $0x3  }
0x94: {  	_ =	strace s2  }
0x95: {  	s2 =	sld [smem:$0x3FFD];
	_ =	sdelay $0x3  }
0x96: {  	_ =	strace s2  }
0x97: {  	_ =	strace $0x8FFFFFFF  }
0x98: {  	s19 =	sld [smem:$0x3FDB];
	_ =	sdelay $0x1  }
0x99: {  	s20 =	simm.s32 $_scs_section_size  }
0x9a: {  	s4 =	simm.s32 $_size__tile_overlayer_lowered;
	s5 =	simm.s32 $_tile_overlayer_lowered  }
0x9b: {  	s6 =	simm.s32 $0x1BFF;
	s21 =	sshll.u32 s5, $0x1;
	s3 =	sadd.s32 s20, s19  }
0x9c: {  	s22 =	simm.s32 $0x0;
	s4 =	sshll.u32 s4, $0x1;
	s5 =	sadd.s32 s21, s3  }
0x9d: {  	[timem:s22], [sflag:s6] =	dma.local [hbm:s5], s4  }
0x9e: {  	_ =	swait.ge [sflag:s6], s4  }
0x9f: {  	s4 =	ssub.s32 $0x0, s4;
	[sflag:s6] =	ssyncset.done $0x0  }
0xa0: {  	[sflag:s6] =	ssyncadd.s32 s4;
	_ =	sdelay $0x1  }
0xa1: {  	s23 =	simm.s32 $0x1B8B  }
0xa2: {  	_ =	swait.ge [sflag:s23], $0x1  }
0xa3: {  	[sflag:s23] =	ssyncset.done $0x0  }
0xa4: {  	[sflag:s23] =	ssyncadd.s32 $0xFFFFFFFF  }
0xa5: {  	s4 =	sld [smem:$0x0]  }
0xa6: {  	s5 =	sand.u32 $0xFFFFFFFE, s1  }
0xa7: {  	p0 =	sne.s32 s1, s5  }
0xa8: {  	s5 =	sshll.u32 @p0 s5, $0xE  }
0xa9: {  	s5 =	sadd.s32 @p0 $0x11B8D, s5;
	s6 =	sshll.u32 @p0 s4, $0x11  }
0xaa: {  	s5 =	sor.u32 @p0 s6, s5  }
0xab: {  	[sflag:s5] =	ssyncadd.remote.s32 @p0 $0x1;
	_ =	sdelay $0x1  }
0xac: {  	s5 =	simm.s32 @p0 $0x1B8D  }
0xad: {  	_ =	swait.eq @p0 [sflag:s5], $0x1  }
0xae: {  	[sflag:s5] =	ssyncadd.s32 @p0 $0xFFFFFFFF  }
0xaf: {  	s6 =	sshll.u32 @!p0 s1, $0xE  }
0xb0: {  	s6 =	sor.u32 @!p0 $0x4000, s6;
	s5 =	simm.s32 @!p0 $0x1B8D  }
0xb1: {  	s4 =	sshll.u32 @!p0 s4, $0x11;
	s6 =	sadd.s32 @!p0 $0x11B8D, s6;
	_ =	swait.eq @!p0 [sflag:s5], $0x1  }
0xb2: {  	s4 =	sor.u32 @!p0 s4, s6;
	[sflag:s5] =	ssyncadd.s32 @!p0 $0xFFFFFFFF  }
0xb3: {  	s25 =	simm.s32 $0x1B8E;
	s24 =	sld [smem:$0x3FFE];
	[sflag:s4] =	ssyncadd.remote.s32 @!p0 $0x1  }
0xb4: {  	s26 =	simm.s32 $execute0_lowered;
	[smem:$0x3FD2] =	sst s25  }
0xb5: {  	s5 =	sshll.u32 s26, $0x1;
	_ =	strace $0x8000004C;
	[dreg:$0x1] =	wrdreg $0xFFFFFFFF  }
0xb6: {  	s28 =	simm.s32 $_size_execute0_lowered;
	s3 =	sadd.s32 s3, s5;
	[dreg:$0x0] =	wrdreg $0x0  }
0xb7: {  	s5 =	sshll.u32 s28, $0x1;
	[dreg:$0x2] =	wrdreg s3  }
0xb8: {  	[dreg:$0x3] =	wrdreg s5  }
0xb9: {  	[dreg:$0x4] =	wrdreg $0xC0  }
0xba: {  	_ =	task [dreg:s22], $0x5FFFF  }
0xbb: {  	[dreg:$0x1] =	wrdreg $0xFFFFFFFF  }
0xbc: {  	[dreg:$0x0] =	wrdreg $0x60  }
0xbd: {  	[dreg:$0x2] =	wrdreg s24  }
0xbe: {  	[dreg:$0x3] =	wrdreg $0x65000  }
0xbf: {  	[dreg:$0x4] =	wrdreg $0xA  }
0xc0: {  	_ =	task.clear_ibuf [dreg:s22], $0x5FFFF;
	_ =	strace $0x9000004C  }
0xc1: {  	s29 =	simm.s32 $0xA;
	_ =	strace $0x8000004E  }
0xc2: {  	_ =	swait.ge [sflag:s29], $0x1  }
0xc3: {  	[sflag:s29] =	ssyncadd.s32 $0xFFFFFFFF  }
0xc4: {  	_ =	strace $0x9000004E  }
0xc5: {  	_ =	sfence  }
0xc6: {  	s30 =	sld [smem:$0x0];
	_ =	sdelay $0x2  }
0xc7: {  	s31 =	sshll.u32 s1, $0xD;
	s1 =	sshrl.u32 s1, $0x2  }
0xc8: {  	s4 =	sand.u32 $0x4000, s31;
	s1 =	sadd.s32 s1, s30  }
0xc9: {  	s0 =	sor.u32 s4, s0;
	s1 =	sshll.u32 s1, $0x11  }
0xca: {  	s0 =	sor.u32 s1, s0  }
0xcb: {  	s0 =	sadd.s32 $0x8F2B, s0  }
0xcc: {  	[sflag:s0] =	ssyncadd.remote.s32 $0x1  }
0xcd: {  	_ =	sfence.sel $0xFFFF  }
0xce: {  	[dreg:$0x0] =	wrdreg $0xFFFFFFFF;
	(pc) =	sbr.abs _section_cstart, $3  }
0xcf: {  	[dreg:$0x1] =	wrdreg $0xFFFFFFFF  }
0xd0: {  	_ =	task.clear_ibuf [dreg:s22], $0x2FFFF;
	_ =	strace $0x9FFFFFFF  }
0xd1: {  	(tm) =	ssettm $0x7FFFFFFF  }
tec
execute0_lowered:
.L_overlay_start_1:
0x0: {  	(tag) =	ssettag $0x1  }
0x1: {  	s0 =	stileid.u32  }
0x2: {  	s1 =	srdreg.scid;
	s4 =	smul.u32 $0x2710, s0  }
0x3: {  	s5 =	rddreg [dreg:$0x0];
	s8 =	smul.u32 $0x27100, s0  }
0x4: {  	s2 =	rddreg [dreg:$0x1];
	s3 =	simm.s32 $0x0;
	s9 =	smul.u32 $0x14000, s0  }
0x5: {  	s13 =	simm.s32 $0xC8;
	s6 =	sand.u32 $0x1, s1;
	s11 =	smul.u32 $0x50000, s0  }
0x6: {  	s14 =	simm.s32 $0x0;
	s1 =	rddreg [dreg:$0x2];
	s7 =	smul.u32 $0x1388, s6  }
0x7: {  	[smem:$0x7FF] =	sst s3;
	s31 =	sshll.u32 s0, $0x6;
	s26 =	smul.u32 $0x140000, s6  }
0x8: {  	_ =	strace $0x8000004D;
	s28 =	ssub.s32 $0x2, s6;
	s6 =	smul.u32 $0x13880, s6  }
0x9: {  	s8 =	sadd.s32 s8, s5;
	s29 =	sshrl.u32 s28, $0x1;
	s30 =	sshrl.u32 s11, $0x2  }
0xa: {  	s11 =	simm.s32 $0x1;
	s4 =	sadd.s32 s7, s4;
	s7 =	sadd.s32 s9, s26  }
0xb: {  	s9 =	ssub.s32 s28, s29;
	s12 =	sadd.s32 s30, s2;
	s8 =	sadd.s32 s6, s8  }
0xc: {  	s4 =	sshrl.u32 s4, $0x3;
	s7 =	sshrl.u32 s7, $0x3;
	s8 =	sadd.s32 $0x9DA800, s8  }
0xd: {  	s10 =	sadd.s32 s4, s5;
	s4 =	sadd.s32 $0x2400, s5;
	s7 =	sadd.s32 s7, s5  }
0xe: {  	s5 =	sor.u32 $0x1C01, s31;
	s6 =	sadd.s32 $0x16400, s7;
	s7 =	smax.u32 s9, $0x1  }
0xf: {  	s9 =	sadd.s32 $0xC400, s10;
	s10 =	sshrl.u32 s12, $0x3;
	s12 =	simm.s32 $0x100  }
.LBB2_1:
0x10: {  	[spmem:s10], [sflag:s5] =	dma.local [hbm:s4], $0x2800  }
0x11: {  	_ =	swait.ge [sflag:s11], $0x2800  }
0x12: {  	[sflag:s11] =	ssyncset.done $0x0  }
0x13: {  	[sflag:s11] =	ssyncadd.s32 $0xFFFFD800  }
0x14: {  	s15 =	sadd.s32 $0x0, s9;
	[bflag:$0x0] =	sbarrier.arrive $0xFFFF  }
0x15: {  	[tilespmem:s3], [sflag:$0x1] =	stream.linear.gather [hbm4b:s15+s3], $0xC8, $0x38;
	[tilespmem:$0x1A500] =	vst v63  }
0x16: {  	_ =	swait.ge [sflag:s11], $0xC8  }
0x17: {  	[sflag:s11] =	ssyncset.done $0x0  }
0x18: {  	[sflag:s11] =	ssyncadd.s32 $0xFFFFFF38  }
0x19: {  	[tilespmem:s12], [sflag:$0x1] =	stream.linear.gather [hbm4b:s8+s3], $0x6400, $0x38;
	[tilespmem:$0x1A500] =	vst v63  }
0x1a: {  	_ =	swait.ge [sflag:s11], $0x6400  }
0x1b: {  	[sflag:s11] =	ssyncset.done $0x0  }
0x1c: {  	[sflag:s11] =	ssyncadd.s32 $0xFFFF9C00  }
0x1d: {  	[spmem:s2] =	stream.indirect.scatter.add.f32 [tilespmem:s12], [sflag:$0x1], $0x80, s3, s13, $0xb8;
	[tilespmem:$0x1A500] =	vst v63  }
0x1e: {  	s16 =	simm.s32 $0x19;
	_ =	swait.ge [sflag:s11], $0x6400  }
0x1f: {  	s17 =	simm.s32 $0x32;
	s15 =	sadd.s32 $0xC80, s8;
	[sflag:s11] =	ssyncset.done $0x0  }
.LBB2_2:
0x20: {  	s18 =	sadd.s32 s16, s9  }
0x21: {  	[sflag:s11] =	ssyncadd.s32 $0xFFFF9C00;
	s16 =	smov.u32 s17;
	s19 =	sadd.s32 $0x19, s17  }
0x22: {  	[tilespmem:s3], [sflag:$0x1] =	stream.linear.gather [hbm4b:s18+s3], $0xC8, $0x38;
	[tilespmem:$0x1A500] =	vst v63  }
0x23: {  	p0 =	sne.s32 s17, $0x258;
	_ =	swait.ge [sflag:s11], $0xC8  }
0x24: {  	[sflag:s11] =	ssyncset.done $0x0  }
0x25: {  	[sflag:s11] =	ssyncadd.s32 $0xFFFFFF38  }
0x26: {  	[tilespmem:s12], [sflag:$0x1] =	stream.linear.gather [hbm4b:s15+s3], $0x6400, $0x38;
	[tilespmem:$0x1A500] =	vst v63  }
0x27: {  	_ =	swait.ge [sflag:s11], $0x6400  }
.Ltmp0:
0x28: {  	[sflag:s11] =	ssyncset.done $0x0;
	(pc) =	sbr.rel @p0 .LBB2_2-.Ltmp0, $4  }
0x29: {  	[sflag:s11] =	ssyncadd.s32 $0xFFFF9C00  }
0x2a: {  	[spmem:s2] =	stream.indirect.scatter.add.f32 [tilespmem:s12], [sflag:$0x1], $0x80, s3, s13, $0xb8;
	[tilespmem:$0x1A500] =	vst v63  }
0x2b: {  	_ =	swait.ge [sflag:s11], $0x6400  }
0x2c: {  	s17 =	smov.u32 s19;
	s15 =	sadd.s32 $0xC80, s15;
	[sflag:s11] =	ssyncset.done $0x0  }
0x2d: {  	s16 =	sadd.s32 s16, s9;
	[sflag:s11] =	ssyncadd.s32 $0xFFFF9C00  }
0x2e: {  	[tilespmem:s3], [sflag:$0x1] =	stream.linear.gather [hbm4b:s16+s3], $0xC8, $0x38;
	[tilespmem:$0x1A500] =	vst v63  }
0x2f: {  	_ =	swait.ge [sflag:s11], $0xC8  }
0x30: {  	[sflag:s11] =	ssyncset.done $0x0  }
0x31: {  	[sflag:s11] =	ssyncadd.s32 $0xFFFFFF38  }
0x32: {  	[tilespmem:s12], [sflag:$0x1] =	stream.linear.gather [hbm4b:s15+s3], $0x6400, $0x38;
	[tilespmem:$0x1A500] =	vst v63  }
0x33: {  	_ =	swait.ge [sflag:s11], $0x6400  }
0x34: {  	[sflag:s11] =	ssyncset.done $0x0  }
0x35: {  	[sflag:s11] =	ssyncadd.s32 $0xFFFF9C00  }
0x36: {  	[spmem:s2] =	stream.indirect.scatter.add.f32 [tilespmem:s12], [sflag:$0x1], $0x80, s3, s13, $0xb8;
	[tilespmem:$0x1A500] =	vst v63  }
0x37: {  	_ =	swait.ge [sflag:s11], $0x6400  }
0x38: {  	s14 =	sadd.s32 $0x1, s14;
	[sflag:s11] =	ssyncset.done $0x0  }
0x39: {  	p0 =	sne.s32 s14, s7;
	[sflag:s11] =	ssyncadd.s32 $0xFFFF9C00  }
.Ltmp1:
0x3a: {  	[bflag:$0x0] =	sbarrier.arrive $0xFFFF;
	(pc) =	sbr.rel @p0 .LBB2_1-.Ltmp1, $4  }
0x3b: {  	[hbm:s6], [sflag:s5] =	dma.local [spmem:s10], $0x2800  }
0x3c: {  	_ =	swait.ge [sflag:s11], $0x2800  }
0x3d: {  	[sflag:s11] =	ssyncset.done $0x0  }
0x3e: {  	[sflag:s11] =	ssyncadd.s32 $0xFFFFD800  }
0x3f: {  	_ =	sfence.sel $0x180000  }
0x40: {  	[bflag:$0x0] =	sbarrier.arrive $0xFFFF  }
0x41: {  	p0 =	sne.s32 s0, $0x0;
	_ =	strace $0x9000004D  }
0x42: {  	s0 =	sadd.s32 @!p0 $0x100000, s1;
	[bflag:$0x2] =	sbarrier.arrive $0xFFFF  }
0x43: {  	[sflag:s0] =	ssyncadd.tile.s32 @!p0 $0x1;
	_ =	shalt  }
.Lfunc_end2:
_tile_overlayer_lowered:
.L_overlay_start_2:
0x44: {  	(tag) =	ssettag $0x2  }
0x45: {  	s0 =	rddreg [dreg:$0x0];
	s2 =	stileid.u32  }
0x46: {  	s1 =	rddreg [dreg:$0x1];
	p0 =	sne.s32 s2, $0x0  }
0x47: {  	s3 =	rddreg [dreg:$0x2];
	[bflag:$0x3] =	sbarrier.arrive $0xFFFF;
	s2 =	simm.s32 @!p0 $0x1C01  }
0x48: {  	[timem:s3], [sflag:s2] =	dma.local @!p0 [hbm:s0], s1  }
0x49: {  	s0 =	simm.s32 @!p0 $0x1  }
0x4a: {  	_ =	swait.ge @!p0 [sflag:s0], s1  }
0x4b: {  	s1 =	ssub.s32 @!p0 $0x0, s1;
	[sflag:s0] =	ssyncset.done @!p0 $0x0  }
0x4c: {  	[sflag:s0] =	ssyncadd.s32 @!p0 s1  }
0x4d: {  	[bflag:$0x3] =	sbarrier.arrive $0xFFFF  }
0x4e: {  	_ =	shalt  }

// kernel: kernel.18.cloned.1.call-start
scs
__scs_entry_jumppad:
0x0: {  	(pc) =	sbr.rel $0x88, $3  }
0x1: {  	(tag) =	ssettag $0x0;
	lr =	simm.s32 $0x1  }
0x2: {  	[smem:$0x3F92] =	sst lr;
	_ =	strace $0xD0000000  }
0x3: {  	_ = 	snop  }
0x4: {  	_ = 	snop  }
0x5: {  	_ = 	snop  }
0x6: {  	_ = 	snop  }
0x7: {  	_ = 	snop  }
__scs_overlays_trampoline_lowered:
0x8: {  	[smem:$0x3FA1] =	sst s0  }
0x9: {  	[smem:$0x3FA2] =	sst s1  }
0xa: {  	[smem:$0x3FA3] =	sst s2  }
0xb: {  	[smem:$0x3FA4] =	sst s3  }
0xc: {  	[smem:$0x3FA5] =	sst s4  }
0xd: {  	[smem:$0x3FA6] =	sst s5  }
0xe: {  	[smem:$0x3FA7] =	sst s6  }
0xf: {  	[smem:$0x3FA8] =	sst s7  }
0x10: {  	[smem:$0x3FA9] =	sst s8  }
0x11: {  	[smem:$0x3FAA] =	sst s9;
	s0 =	simm.s32 @!p0 $0x0  }
0x12: {  	s1 =	sld [smem:$0x3F90];
	s0 =	simm.s32 @p0 $0x1  }
0x13: {  	[smem:$0x3FAB] =	sst s0;
	s0 =	simm.s32 @!p1 $0x0  }
0x14: {  	s2 =	sld [smem:$0x3F8F];
	s0 =	simm.s32 @p1 $0x1  }
0x15: {  	[smem:$0x3FAC] =	sst s0;
	s0 =	simm.s32 @!p2 $0x0  }
0x16: {  	s3 =	sld [smem:$0x3FDB];
	s0 =	simm.s32 @p2 $0x1  }
0x17: {  	s4 =	simm.s32 $0x1BF5;
	[smem:$0x3FAE] =	sst s0  }
0x18: {  	s0 =	sld [smem:$0x3F91];
	_ =	swait.ge [sflag:s4], $0x0  }
0x19: {  	s7 =	sld [smem:$0x3F92]  }
0x1a: {  	s8 =	sadd.s32 $0xFFFFE003, lr  }
0x1b: {  	s9 =	sadd.s32 $0xFFFFFEF7, lr;
	s5 =	simm.s32 $0xFFFFFFFF;
	p2 =	slt.u32 s8, $0xFFFFF086  }
0x1c: {  	p1 =	slt.u32 s9, $0xF7A;
	s5 =	simm.s32 @!p2 $0x0  }
0x1d: {  	s5 =	simm.s32 @p1 $0x1;
	p0 =	seq.s32 s7, s2  }
0x1e: {  	s7 =	smul.u32 @!p0 $0xF7A, s2;
	p2 =	seq.s32 @!p0 s5, $0x0  }
0x1f: {  	s9 =	smul.u32 $0xF7A, s1;
	s8 =	simm.s32 @!p0 $0x1BF5;
	p2 =	por !p2, p0  }
0x20: {  	[sflag:s8] =	ssyncset.s32 @!p0 $0xFFFFF086;
	s6 =	sadd.s32 @!p0 s3, s7;
	s7 =	simm.s32 @!p0 $0x108  }
0x21: {  	s3 =	sadd.s32 s3, s9;
	s6 =	sadd.s32 @!p0 $0x88, s6;
	s7 =	simm.s32 @p2 $0x1082  }
0x22: {  	[simem:s7], [sflag:s8] =	dma.local @!p0 [hbm:s6], $0xF7A  }
0x23: {  	s9 =	sor.u32 $0xD0000000, s2;
	s6 =	simm.s32 $0x108;
	_ =	swait.ge @!p0 [sflag:s8], $0x0  }
0x24: {  	s3 =	sadd.s32 $0x88, s3;
	s6 =	simm.s32 @!p1 $0x1082;
	[sflag:s4] =	ssyncset.s32 $0xFFFFF086  }
0x25: {  	[simem:s6], [sflag:s4] =	dma.local [hbm:s3], $0xF7A  }
0x26: {  	[smem:$0x3F92] =	sst s1;
	(tag) =	ssettag s2;
	_ =	strace s9  }
0x27: {  	s1 =	sld [smem:$0x3FA2]  }
0x28: {  	s2 =	sld [smem:$0x3FA3]  }
0x29: {  	s4 =	sld [smem:$0x3FA5]  }
0x2a: {  	p0 =	seq.s32 s5, $0x0;
	s5 =	sld [smem:$0x3FA6]  }
0x2b: {  	s6 =	sld [smem:$0x3FA7]  }
0x2c: {  	s7 =	sld [smem:$0x3FA8]  }
0x2d: {  	s3 =	simm.s32 $0x108;
	s8 =	sld [smem:$0x3FA9]  }
0x2e: {  	s3 =	simm.s32 @!p0 $0x1082;
	s9 =	sld [smem:$0x3FAA]  }
0x2f: {  	lr =	sadd.s32 s0, s3;
	s0 =	sld [smem:$0x3FA1]  }
0x30: {  	s3 =	sld [smem:$0x3FA4]  }
0x31: {  	[smem:$0x3FAD] =	sst s10  }
0x32: {  	s10 =	sld [smem:$0x3FAB];
	_ =	sdelay $0x3  }
0x33: {  	p0 =	seq.s32 s10, $0x1;
	s10 =	sld [smem:$0x3FAD];
	_ =	sdelay $0x3  }
0x34: {  	[smem:$0x3FAD] =	sst s10  }
0x35: {  	s10 =	sld [smem:$0x3FAC];
	_ =	sdelay $0x3  }
0x36: {  	p1 =	seq.s32 s10, $0x1;
	s10 =	sld [smem:$0x3FAD];
	_ =	sdelay $0x3  }
0x37: {  	[smem:$0x3FAD] =	sst s10  }
0x38: {  	s10 =	sld [smem:$0x3FAE]  }
0x39: {  	_ = 	snop;
	(pc) =	sbr.ind lr, $3  }
0x3a: {  	_ = 	snop  }
0x3b: {  	_ = 	snop  }
0x3c: {  	p2 =	seq.s32 s10, $0x1;
	s10 =	sld [smem:$0x3FAD]  }
0x3d: {  	_ =	shalt  }
0x3e: {  	_ =	shalt  }
0x3f: {  	_ =	shalt  }
0x40: {  	_ =	shalt  }
0x41: {  	_ =	shalt  }
0x42: {  	_ =	shalt  }
0x43: {  	_ =	shalt  }
0x44: {  	_ =	shalt  }
0x45: {  	_ =	shalt  }
0x46: {  	_ =	shalt  }
0x47: {  	_ =	shalt  }
0x48: {  	_ =	shalt  }
0x49: {  	_ =	shalt  }
0x4a: {  	_ =	shalt  }
0x4b: {  	_ =	shalt  }
0x4c: {  	_ =	shalt  }
0x4d: {  	_ =	shalt  }
0x4e: {  	_ =	shalt  }
0x4f: {  	_ =	shalt  }
0x50: {  	_ =	shalt  }
0x51: {  	_ =	shalt  }
0x52: {  	_ =	shalt  }
0x53: {  	_ =	shalt  }
0x54: {  	_ =	shalt  }
0x55: {  	_ =	shalt  }
0x56: {  	_ =	shalt  }
0x57: {  	_ =	shalt  }
0x58: {  	_ =	shalt  }
0x59: {  	_ =	shalt  }
0x5a: {  	_ =	shalt  }
0x5b: {  	_ =	shalt  }
0x5c: {  	_ =	shalt  }
0x5d: {  	_ =	shalt  }
0x5e: {  	_ =	shalt  }
0x5f: {  	_ =	shalt  }
0x60: {  	_ =	shalt  }
0x61: {  	_ =	shalt  }
0x62: {  	_ =	shalt  }
0x63: {  	_ =	shalt  }
0x64: {  	_ =	shalt  }
0x65: {  	_ =	shalt  }
0x66: {  	_ =	shalt  }
0x67: {  	_ =	shalt  }
0x68: {  	_ =	shalt  }
0x69: {  	_ =	shalt  }
0x6a: {  	_ =	shalt  }
0x6b: {  	_ =	shalt  }
0x6c: {  	_ =	shalt  }
0x6d: {  	_ =	shalt  }
0x6e: {  	_ =	shalt  }
0x6f: {  	_ =	shalt  }
0x70: {  	_ =	shalt  }
0x71: {  	_ =	shalt  }
0x72: {  	_ =	shalt  }
0x73: {  	_ =	shalt  }
0x74: {  	_ =	shalt  }
0x75: {  	_ =	shalt  }
0x76: {  	_ =	shalt  }
0x77: {  	_ =	shalt  }
0x78: {  	_ =	shalt  }
0x79: {  	_ =	shalt  }
0x7a: {  	_ =	shalt  }
0x7b: {  	_ =	shalt  }
0x7c: {  	_ =	shalt  }
0x7d: {  	_ =	shalt  }
0x7e: {  	_ =	shalt  }
0x7f: {  	_ =	shalt  }
0x80: {  	_ =	shalt  }
0x81: {  	_ =	shalt  }
0x82: {  	_ =	shalt  }
0x83: {  	_ =	shalt  }
0x84: {  	_ =	shalt  }
0x85: {  	_ =	shalt  }
0x86: {  	_ =	shalt  }
0x87: {  	_ =	shalt  }
.Lfunc_end0:
.L_simem_size_0:
called_computation.3_lowered:
.L_overlay_start_0:
0x88: {  	s2 =	sld [smem:$0x3FD9]  }
0x89: {  	s3 =	sld [smem:$0x3FFE];
	_ =	sdelay $0x1  }
0x8a: {  	s1 =	srdreg.scid  }
0x8b: {  	s0 =	sand.u32 $0x1, s1  }
0x8c: {  	s17 =	sshll.u32 s0, $0xA;
	s2 =	sadd.s32 s3, s2  }
0x8d: {  	s2 =	sadd.s32 s2, s17  }
0x8e: {  	[smem:$0x3FB9] =	sst s2  }
0x8f: {  	_ = 	snop  }
0x90: {  	(tm) =	ssettm $0x1  }
0x91: {  	s18 =	sld [smem:$0x3FFB];
	_ =	sdelay $0x3  }
0x92: {  	_ =	strace s18  }
0x93: {  	s2 =	sld [smem:$0x3FFC];
	_ =	sdelay $0x3  }
0x94: {  	_ =	strace s2  }
0x95: {  	s2 =	sld [smem:$0x3FFD];
	_ =	sdelay $0x3  }
0x96: {  	_ =	strace s2  }
0x97: {  	_ =	strace $0x8FFFFFFF  }
0x98: {  	s19 =	sld [smem:$0x3FDB];
	_ =	sdelay $0x1  }
0x99: {  	s20 =	simm.s32 $_scs_section_size  }
0x9a: {  	s4 =	simm.s32 $_size__tile_overlayer_lowered;
	s5 =	simm.s32 $_tile_overlayer_lowered  }
0x9b: {  	s6 =	simm.s32 $0x1BFF;
	s21 =	sshll.u32 s5, $0x1;
	s3 =	sadd.s32 s20, s19  }
0x9c: {  	s22 =	simm.s32 $0x0;
	s4 =	sshll.u32 s4, $0x1;
	s5 =	sadd.s32 s21, s3  }
0x9d: {  	[timem:s22], [sflag:s6] =	dma.local [hbm:s5], s4  }
0x9e: {  	_ =	swait.ge [sflag:s6], s4  }
0x9f: {  	s4 =	ssub.s32 $0x0, s4;
	[sflag:s6] =	ssyncset.done $0x0  }
0xa0: {  	[sflag:s6] =	ssyncadd.s32 s4;
	_ =	sdelay $0x1  }
0xa1: {  	s23 =	simm.s32 $0x1B8B  }
0xa2: {  	_ =	swait.ge [sflag:s23], $0x1  }
0xa3: {  	[sflag:s23] =	ssyncset.done $0x0  }
0xa4: {  	[sflag:s23] =	ssyncadd.s32 $0xFFFFFFFF  }
0xa5: {  	s4 =	sld [smem:$0x0]  }
0xa6: {  	s5 =	sand.u32 $0xFFFFFFFE, s1  }
0xa7: {  	p0 =	sne.s32 s1, s5  }
0xa8: {  	s5 =	sshll.u32 @p0 s5, $0xE  }
0xa9: {  	s5 =	sadd.s32 @p0 $0x11B8D, s5;
	s6 =	sshll.u32 @p0 s4, $0x11  }
0xaa: {  	s5 =	sor.u32 @p0 s6, s5  }
0xab: {  	[sflag:s5] =	ssyncadd.remote.s32 @p0 $0x1;
	_ =	sdelay $0x1  }
0xac: {  	s5 =	simm.s32 @p0 $0x1B8D  }
0xad: {  	_ =	swait.eq @p0 [sflag:s5], $0x1  }
0xae: {  	[sflag:s5] =	ssyncadd.s32 @p0 $0xFFFFFFFF  }
0xaf: {  	s6 =	sshll.u32 @!p0 s1, $0xE  }
0xb0: {  	s6 =	sor.u32 @!p0 $0x4000, s6;
	s5 =	simm.s32 @!p0 $0x1B8D  }
0xb1: {  	s4 =	sshll.u32 @!p0 s4, $0x11;
	s6 =	sadd.s32 @!p0 $0x11B8D, s6;
	_ =	swait.eq @!p0 [sflag:s5], $0x1  }
0xb2: {  	s4 =	sor.u32 @!p0 s4, s6;
	[sflag:s5] =	ssyncadd.s32 @!p0 $0xFFFFFFFF  }
0xb3: {  	s25 =	simm.s32 $0x1B8E;
	s24 =	sld [smem:$0x3FFE];
	[sflag:s4] =	ssyncadd.remote.s32 @!p0 $0x1  }
0xb4: {  	s26 =	simm.s32 $execute0_lowered;
	[smem:$0x3FD2] =	sst s25  }
0xb5: {  	s5 =	sshll.u32 s26, $0x1;
	_ =	strace $0x8000004F;
	[dreg:$0x1] =	wrdreg $0xFFFFFFFF  }
0xb6: {  	s28 =	simm.s32 $_size_execute0_lowered;
	s3 =	sadd.s32 s3, s5;
	[dreg:$0x0] =	wrdreg $0x0  }
0xb7: {  	s5 =	sshll.u32 s28, $0x1;
	[dreg:$0x2] =	wrdreg s3  }
0xb8: {  	[dreg:$0x3] =	wrdreg s5  }
0xb9: {  	[dreg:$0x4] =	wrdreg $0xC0  }
0xba: {  	_ =	task [dreg:s22], $0x5FFFF  }
0xbb: {  	[dreg:$0x1] =	wrdreg $0xFFFFFFFF  }
0xbc: {  	[dreg:$0x0] =	wrdreg $0x60  }
0xbd: {  	[dreg:$0x2] =	wrdreg s24  }
0xbe: {  	[dreg:$0x3] =	wrdreg $0x65000  }
0xbf: {  	[dreg:$0x4] =	wrdreg $0x9  }
0xc0: {  	_ =	task.clear_ibuf [dreg:s22], $0x5FFFF;
	_ =	strace $0x9000004F  }
0xc1: {  	s29 =	simm.s32 $0x9;
	_ =	strace $0x80000051  }
0xc2: {  	_ =	swait.ge [sflag:s29], $0x1  }
0xc3: {  	[sflag:s29] =	ssyncadd.s32 $0xFFFFFFFF  }
0xc4: {  	_ =	strace $0x90000051  }
0xc5: {  	_ =	sfence  }
0xc6: {  	s30 =	sld [smem:$0x0];
	_ =	sdelay $0x2  }
0xc7: {  	s31 =	sshll.u32 s1, $0xD;
	s1 =	sshrl.u32 s1, $0x2  }
0xc8: {  	s4 =	sand.u32 $0x4000, s31;
	s1 =	sadd.s32 s1, s30  }
0xc9: {  	s0 =	sor.u32 s4, s0;
	s1 =	sshll.u32 s1, $0x11  }
0xca: {  	s0 =	sor.u32 s1, s0  }
0xcb: {  	s0 =	sadd.s32 $0x8F2B, s0  }
0xcc: {  	[sflag:s0] =	ssyncadd.remote.s32 $0x1  }
0xcd: {  	_ =	sfence.sel $0xFFFF  }
0xce: {  	[dreg:$0x0] =	wrdreg $0xFFFFFFFF;
	(pc) =	sbr.abs _section_cstart, $3  }
0xcf: {  	[dreg:$0x1] =	wrdreg $0xFFFFFFFF  }
0xd0: {  	_ =	task.clear_ibuf [dreg:s22], $0x2FFFF;
	_ =	strace $0x9FFFFFFF  }
0xd1: {  	(tm) =	ssettm $0x7FFFFFFF  }
tec
execute0_lowered:
.L_overlay_start_1:
0x0: {  	(tag) =	ssettag $0x1  }
0x1: {  	s0 =	stileid.u32  }
0x2: {  	s1 =	srdreg.scid;
	s4 =	smul.u32 $0x2710, s0  }
0x3: {  	s5 =	rddreg [dreg:$0x0];
	s8 =	smul.u32 $0x27100, s0  }
0x4: {  	s2 =	rddreg [dreg:$0x1];
	s3 =	simm.s32 $0x0;
	s9 =	smul.u32 $0x14000, s0  }
0x5: {  	s13 =	simm.s32 $0xC8;
	s6 =	sand.u32 $0x1, s1;
	s11 =	smul.u32 $0x50000, s0  }
0x6: {  	s14 =	simm.s32 $0x0;
	s1 =	rddreg [dreg:$0x2];
	s7 =	smul.u32 $0x1388, s6  }
0x7: {  	[smem:$0x7FF] =	sst s3;
	s31 =	sshll.u32 s0, $0x6;
	s26 =	smul.u32 $0x140000, s6  }
0x8: {  	_ =	strace $0x80000050;
	s28 =	ssub.s32 $0x2, s6;
	s6 =	smul.u32 $0x13880, s6  }
0x9: {  	s8 =	sadd.s32 s8, s5;
	s29 =	sshrl.u32 s28, $0x1;
	s30 =	sshrl.u32 s11, $0x2  }
0xa: {  	s11 =	simm.s32 $0x1;
	s4 =	sadd.s32 s7, s4;
	s7 =	sadd.s32 s9, s26  }
0xb: {  	s9 =	ssub.s32 s28, s29;
	s12 =	sadd.s32 s30, s2;
	s8 =	sadd.s32 s6, s8  }
0xc: {  	s4 =	sshrl.u32 s4, $0x3;
	s7 =	sshrl.u32 s7, $0x3;
	s8 =	sadd.s32 $0x66400, s8  }
0xd: {  	s10 =	sadd.s32 s4, s5;
	s4 =	sadd.s32 $0x2400, s5;
	s7 =	sadd.s32 s7, s5  }
0xe: {  	s5 =	sor.u32 $0x1C01, s31;
	s6 =	sadd.s32 $0x2D7400, s7;
	s7 =	smax.u32 s9, $0x1  }
0xf: {  	s9 =	sadd.s32 $0x11400, s10;
	s10 =	sshrl.u32 s12, $0x3;
	s12 =	simm.s32 $0x100  }
.LBB2_1:
0x10: {  	[spmem:s10], [sflag:s5] =	dma.local [hbm:s4], $0x2800  }
0x11: {  	_ =	swait.ge [sflag:s11], $0x2800  }
0x12: {  	[sflag:s11] =	ssyncset.done $0x0  }
0x13: {  	[sflag:s11] =	ssyncadd.s32 $0xFFFFD800  }
0x14: {  	s15 =	sadd.s32 $0x0, s9;
	[bflag:$0x0] =	sbarrier.arrive $0xFFFF  }
0x15: {  	[tilespmem:s3], [sflag:$0x1] =	stream.linear.gather [hbm4b:s15+s3], $0xC8, $0x38;
	[tilespmem:$0x1A500] =	vst v63  }
0x16: {  	_ =	swait.ge [sflag:s11], $0xC8  }
0x17: {  	[sflag:s11] =	ssyncset.done $0x0  }
0x18: {  	[sflag:s11] =	ssyncadd.s32 $0xFFFFFF38  }
0x19: {  	[tilespmem:s12], [sflag:$0x1] =	stream.linear.gather [hbm4b:s8+s3], $0x6400, $0x38;
	[tilespmem:$0x1A500] =	vst v63  }
0x1a: {  	_ =	swait.ge [sflag:s11], $0x6400  }
0x1b: {  	[sflag:s11] =	ssyncset.done $0x0  }
0x1c: {  	[sflag:s11] =	ssyncadd.s32 $0xFFFF9C00  }
0x1d: {  	[spmem:s2] =	stream.indirect.scatter.add.f32 [tilespmem:s12], [sflag:$0x1], $0x80, s3, s13, $0xb8;
	[tilespmem:$0x1A500] =	vst v63  }
0x1e: {  	s16 =	simm.s32 $0x19;
	_ =	swait.ge [sflag:s11], $0x6400  }
0x1f: {  	s17 =	simm.s32 $0x32;
	s15 =	sadd.s32 $0xC80, s8;
	[sflag:s11] =	ssyncset.done $0x0  }
.LBB2_2:
0x20: {  	s18 =	sadd.s32 s16, s9  }
0x21: {  	[sflag:s11] =	ssyncadd.s32 $0xFFFF9C00;
	s16 =	smov.u32 s17;
	s19 =	sadd.s32 $0x19, s17  }
0x22: {  	[tilespmem:s3], [sflag:$0x1] =	stream.linear.gather [hbm4b:s18+s3], $0xC8, $0x38;
	[tilespmem:$0x1A500] =	vst v63  }
0x23: {  	p0 =	sne.s32 s17, $0x258;
	_ =	swait.ge [sflag:s11], $0xC8  }
0x24: {  	[sflag:s11] =	ssyncset.done $0x0  }
0x25: {  	[sflag:s11] =	ssyncadd.s32 $0xFFFFFF38  }
0x26: {  	[tilespmem:s12], [sflag:$0x1] =	stream.linear.gather [hbm4b:s15+s3], $0x6400, $0x38;
	[tilespmem:$0x1A500] =	vst v63  }
0x27: {  	_ =	swait.ge [sflag:s11], $0x6400  }
.Ltmp0:
0x28: {  	[sflag:s11] =	ssyncset.done $0x0;
	(pc) =	sbr.rel @p0 .LBB2_2-.Ltmp0, $4  }
0x29: {  	[sflag:s11] =	ssyncadd.s32 $0xFFFF9C00  }
0x2a: {  	[spmem:s2] =	stream.indirect.scatter.add.f32 [tilespmem:s12], [sflag:$0x1], $0x80, s3, s13, $0xb8;
	[tilespmem:$0x1A500] =	vst v63  }
0x2b: {  	_ =	swait.ge [sflag:s11], $0x6400  }
0x2c: {  	s17 =	smov.u32 s19;
	s15 =	sadd.s32 $0xC80, s15;
	[sflag:s11] =	ssyncset.done $0x0  }
0x2d: {  	s16 =	sadd.s32 s16, s9;
	[sflag:s11] =	ssyncadd.s32 $0xFFFF9C00  }
0x2e: {  	[tilespmem:s3], [sflag:$0x1] =	stream.linear.gather [hbm4b:s16+s3], $0xC8, $0x38;
	[tilespmem:$0x1A500] =	vst v63  }
0x2f: {  	_ =	swait.ge [sflag:s11], $0xC8  }
0x30: {  	[sflag:s11] =	ssyncset.done $0x0  }
0x31: {  	[sflag:s11] =	ssyncadd.s32 $0xFFFFFF38  }
0x32: {  	[tilespmem:s12], [sflag:$0x1] =	stream.linear.gather [hbm4b:s15+s3], $0x6400, $0x38;
	[tilespmem:$0x1A500] =	vst v63  }
0x33: {  	_ =	swait.ge [sflag:s11], $0x6400  }
0x34: {  	[sflag:s11] =	ssyncset.done $0x0  }
0x35: {  	[sflag:s11] =	ssyncadd.s32 $0xFFFF9C00  }
0x36: {  	[spmem:s2] =	stream.indirect.scatter.add.f32 [tilespmem:s12], [sflag:$0x1], $0x80, s3, s13, $0xb8;
	[tilespmem:$0x1A500] =	vst v63  }
0x37: {  	_ =	swait.ge [sflag:s11], $0x6400  }
0x38: {  	s14 =	sadd.s32 $0x1, s14;
	[sflag:s11] =	ssyncset.done $0x0  }
0x39: {  	p0 =	sne.s32 s14, s7;
	[sflag:s11] =	ssyncadd.s32 $0xFFFF9C00  }
.Ltmp1:
0x3a: {  	[bflag:$0x0] =	sbarrier.arrive $0xFFFF;
	(pc) =	sbr.rel @p0 .LBB2_1-.Ltmp1, $4  }
0x3b: {  	[hbm:s6], [sflag:s5] =	dma.local [spmem:s10], $0x2800  }
0x3c: {  	_ =	swait.ge [sflag:s11], $0x2800  }
0x3d: {  	[sflag:s11] =	ssyncset.done $0x0  }
0x3e: {  	[sflag:s11] =	ssyncadd.s32 $0xFFFFD800  }
0x3f: {  	_ =	sfence.sel $0x180000  }
0x40: {  	[bflag:$0x0] =	sbarrier.arrive $0xFFFF  }
0x41: {  	p0 =	sne.s32 s0, $0x0;
	_ =	strace $0x90000050  }
0x42: {  	s0 =	sadd.s32 @!p0 $0x100000, s1;
	[bflag:$0x2] =	sbarrier.arrive $0xFFFF  }
0x43: {  	[sflag:s0] =	ssyncadd.tile.s32 @!p0 $0x1;
	_ =	shalt  }
.Lfunc_end2:
_tile_overlayer_lowered:
.L_overlay_start_2:
0x44: {  	(tag) =	ssettag $0x2  }
0x45: {  	s0 =	rddreg [dreg:$0x0];
	s2 =	stileid.u32  }
0x46: {  	s1 =	rddreg [dreg:$0x1];
	p0 =	sne.s32 s2, $0x0  }
0x47: {  	s3 =	rddreg [dreg:$0x2];
	[bflag:$0x3] =	sbarrier.arrive $0xFFFF;
	s2 =	simm.s32 @!p0 $0x1C01  }
0x48: {  	[timem:s3], [sflag:s2] =	dma.local @!p0 [hbm:s0], s1  }
0x49: {  	s0 =	simm.s32 @!p0 $0x1  }
0x4a: {  	_ =	swait.ge @!p0 [sflag:s0], s1  }
0x4b: {  	s1 =	ssub.s32 @!p0 $0x0, s1;
	[sflag:s0] =	ssyncset.done @!p0 $0x0  }
0x4c: {  	[sflag:s0] =	ssyncadd.s32 @!p0 s1  }
0x4d: {  	[bflag:$0x3] =	sbarrier.arrive $0xFFFF  }
0x4e: {  	_ =	shalt  }

// kernel: kernel.9.cloned.1.call-start
scs
__scs_entry_jumppad:
0x0: {  	(pc) =	sbr.rel $0x88, $3  }
0x1: {  	(tag) =	ssettag $0x0;
	lr =	simm.s32 $0x1  }
0x2: {  	[smem:$0x3F92] =	sst lr;
	_ =	strace $0xD0000000  }
0x3: {  	_ = 	snop  }
0x4: {  	_ = 	snop  }
0x5: {  	_ = 	snop  }
0x6: {  	_ = 	snop  }
0x7: {  	_ = 	snop  }
__scs_overlays_trampoline_lowered:
0x8: {  	[smem:$0x3FA1] =	sst s0  }
0x9: {  	[smem:$0x3FA2] =	sst s1  }
0xa: {  	[smem:$0x3FA3] =	sst s2  }
0xb: {  	[smem:$0x3FA4] =	sst s3  }
0xc: {  	[smem:$0x3FA5] =	sst s4  }
0xd: {  	[smem:$0x3FA6] =	sst s5  }
0xe: {  	[smem:$0x3FA7] =	sst s6  }
0xf: {  	[smem:$0x3FA8] =	sst s7  }
0x10: {  	[smem:$0x3FA9] =	sst s8  }
0x11: {  	[smem:$0x3FAA] =	sst s9;
	s0 =	simm.s32 @!p0 $0x0  }
0x12: {  	s1 =	sld [smem:$0x3F90];
	s0 =	simm.s32 @p0 $0x1  }
0x13: {  	[smem:$0x3FAB] =	sst s0;
	s0 =	simm.s32 @!p1 $0x0  }
0x14: {  	s2 =	sld [smem:$0x3F8F];
	s0 =	simm.s32 @p1 $0x1  }
0x15: {  	[smem:$0x3FAC] =	sst s0;
	s0 =	simm.s32 @!p2 $0x0  }
0x16: {  	s3 =	sld [smem:$0x3FDB];
	s0 =	simm.s32 @p2 $0x1  }
0x17: {  	s4 =	simm.s32 $0x1BF5;
	[smem:$0x3FAE] =	sst s0  }
0x18: {  	s0 =	sld [smem:$0x3F91];
	_ =	swait.ge [sflag:s4], $0x0  }
0x19: {  	s7 =	sld [smem:$0x3F92]  }
0x1a: {  	s8 =	sadd.s32 $0xFFFFE003, lr  }
0x1b: {  	s9 =	sadd.s32 $0xFFFFFEF7, lr;
	s5 =	simm.s32 $0xFFFFFFFF;
	p2 =	slt.u32 s8, $0xFFFFF086  }
0x1c: {  	p1 =	slt.u32 s9, $0xF7A;
	s5 =	simm.s32 @!p2 $0x0  }
0x1d: {  	s5 =	simm.s32 @p1 $0x1;
	p0 =	seq.s32 s7, s2  }
0x1e: {  	s7 =	smul.u32 @!p0 $0xF7A, s2;
	p2 =	seq.s32 @!p0 s5, $0x0  }
0x1f: {  	s9 =	smul.u32 $0xF7A, s1;
	s8 =	simm.s32 @!p0 $0x1BF5;
	p2 =	por !p2, p0  }
0x20: {  	[sflag:s8] =	ssyncset.s32 @!p0 $0xFFFFF086;
	s6 =	sadd.s32 @!p0 s3, s7;
	s7 =	simm.s32 @!p0 $0x108  }
0x21: {  	s3 =	sadd.s32 s3, s9;
	s6 =	sadd.s32 @!p0 $0x88, s6;
	s7 =	simm.s32 @p2 $0x1082  }
0x22: {  	[simem:s7], [sflag:s8] =	dma.local @!p0 [hbm:s6], $0xF7A  }
0x23: {  	s9 =	sor.u32 $0xD0000000, s2;
	s6 =	simm.s32 $0x108;
	_ =	swait.ge @!p0 [sflag:s8], $0x0  }
0x24: {  	s3 =	sadd.s32 $0x88, s3;
	s6 =	simm.s32 @!p1 $0x1082;
	[sflag:s4] =	ssyncset.s32 $0xFFFFF086  }
0x25: {  	[simem:s6], [sflag:s4] =	dma.local [hbm:s3], $0xF7A  }
0x26: {  	[smem:$0x3F92] =	sst s1;
	(tag) =	ssettag s2;
	_ =	strace s9  }
0x27: {  	s1 =	sld [smem:$0x3FA2]  }
0x28: {  	s2 =	sld [smem:$0x3FA3]  }
0x29: {  	s4 =	sld [smem:$0x3FA5]  }
0x2a: {  	p0 =	seq.s32 s5, $0x0;
	s5 =	sld [smem:$0x3FA6]  }
0x2b: {  	s6 =	sld [smem:$0x3FA7]  }
0x2c: {  	s7 =	sld [smem:$0x3FA8]  }
0x2d: {  	s3 =	simm.s32 $0x108;
	s8 =	sld [smem:$0x3FA9]  }
0x2e: {  	s3 =	simm.s32 @!p0 $0x1082;
	s9 =	sld [smem:$0x3FAA]  }
0x2f: {  	lr =	sadd.s32 s0, s3;
	s0 =	sld [smem:$0x3FA1]  }
0x30: {  	s3 =	sld [smem:$0x3FA4]  }
0x31: {  	[smem:$0x3FAD] =	sst s10  }
0x32: {  	s10 =	sld [smem:$0x3FAB];
	_ =	sdelay $0x3  }
0x33: {  	p0 =	seq.s32 s10, $0x1;
	s10 =	sld [smem:$0x3FAD];
	_ =	sdelay $0x3  }
0x34: {  	[smem:$0x3FAD] =	sst s10  }
0x35: {  	s10 =	sld [smem:$0x3FAC];
	_ =	sdelay $0x3  }
0x36: {  	p1 =	seq.s32 s10, $0x1;
	s10 =	sld [smem:$0x3FAD];
	_ =	sdelay $0x3  }
0x37: {  	[smem:$0x3FAD] =	sst s10  }
0x38: {  	s10 =	sld [smem:$0x3FAE]  }
0x39: {  	_ = 	snop;
	(pc) =	sbr.ind lr, $3  }
0x3a: {  	_ = 	snop  }
0x3b: {  	_ = 	snop  }
0x3c: {  	p2 =	seq.s32 s10, $0x1;
	s10 =	sld [smem:$0x3FAD]  }
0x3d: {  	_ =	shalt  }
0x3e: {  	_ =	shalt  }
0x3f: {  	_ =	shalt  }
0x40: {  	_ =	shalt  }
0x41: {  	_ =	shalt  }
0x42: {  	_ =	shalt  }
0x43: {  	_ =	shalt  }
0x44: {  	_ =	shalt  }
0x45: {  	_ =	shalt  }
0x46: {  	_ =	shalt  }
0x47: {  	_ =	shalt  }
0x48: {  	_ =	shalt  }
0x49: {  	_ =	shalt  }
0x4a: {  	_ =	shalt  }
0x4b: {  	_ =	shalt  }
0x4c: {  	_ =	shalt  }
0x4d: {  	_ =	shalt  }
0x4e: {  	_ =	shalt  }
0x4f: {  	_ =	shalt  }
0x50: {  	_ =	shalt  }
0x51: {  	_ =	shalt  }
0x52: {  	_ =	shalt  }
0x53: {  	_ =	shalt  }
0x54: {  	_ =	shalt  }
0x55: {  	_ =	shalt  }
0x56: {  	_ =	shalt  }
0x57: {  	_ =	shalt  }
0x58: {  	_ =	shalt  }
0x59: {  	_ =	shalt  }
0x5a: {  	_ =	shalt  }
0x5b: {  	_ =	shalt  }
0x5c: {  	_ =	shalt  }
0x5d: {  	_ =	shalt  }
0x5e: {  	_ =	shalt  }
0x5f: {  	_ =	shalt  }
0x60: {  	_ =	shalt  }
0x61: {  	_ =	shalt  }
0x62: {  	_ =	shalt  }
0x63: {  	_ =	shalt  }
0x64: {  	_ =	shalt  }
0x65: {  	_ =	shalt  }
0x66: {  	_ =	shalt  }
0x67: {  	_ =	shalt  }
0x68: {  	_ =	shalt  }
0x69: {  	_ =	shalt  }
0x6a: {  	_ =	shalt  }
0x6b: {  	_ =	shalt  }
0x6c: {  	_ =	shalt  }
0x6d: {  	_ =	shalt  }
0x6e: {  	_ =	shalt  }
0x6f: {  	_ =	shalt  }
0x70: {  	_ =	shalt  }
0x71: {  	_ =	shalt  }
0x72: {  	_ =	shalt  }
0x73: {  	_ =	shalt  }
0x74: {  	_ =	shalt  }
0x75: {  	_ =	shalt  }
0x76: {  	_ =	shalt  }
0x77: {  	_ =	shalt  }
0x78: {  	_ =	shalt  }
0x79: {  	_ =	shalt  }
0x7a: {  	_ =	shalt  }
0x7b: {  	_ =	shalt  }
0x7c: {  	_ =	shalt  }
0x7d: {  	_ =	shalt  }
0x7e: {  	_ =	shalt  }
0x7f: {  	_ =	shalt  }
0x80: {  	_ =	shalt  }
0x81: {  	_ =	shalt  }
0x82: {  	_ =	shalt  }
0x83: {  	_ =	shalt  }
0x84: {  	_ =	shalt  }
0x85: {  	_ =	shalt  }
0x86: {  	_ =	shalt  }
0x87: {  	_ =	shalt  }
.Lfunc_end0:
.L_simem_size_0:
called_computation_lowered:
.L_overlay_start_0:
0x88: {  	s2 =	sld [smem:$0x3FD9]  }
0x89: {  	s3 =	sld [smem:$0x3FFE];
	_ =	sdelay $0x1  }
0x8a: {  	s1 =	srdreg.scid  }
0x8b: {  	s0 =	sand.u32 $0x1, s1  }
0x8c: {  	s17 =	sshll.u32 s0, $0xA;
	s2 =	sadd.s32 s3, s2  }
0x8d: {  	s2 =	sadd.s32 s2, s17  }
0x8e: {  	[smem:$0x3FB9] =	sst s2  }
0x8f: {  	_ = 	snop  }
0x90: {  	s2 =	sld [smem:$0x3FD0];
	(tm) =	ssettm $0x1  }
0x91: {  	s18 =	sld [smem:$0x3FFB];
	_ =	sdelay $0x3  }
0x92: {  	_ =	strace s18  }
0x93: {  	s3 =	sld [smem:$0x3FFC];
	_ =	sdelay $0x3  }
0x94: {  	_ =	strace s3  }
0x95: {  	s3 =	sld [smem:$0x3FFD];
	_ =	sdelay $0x3  }
0x96: {  	_ =	strace s3  }
0x97: {  	_ =	strace $0x8FFFFFFF  }
0x98: {  	s19 =	sld [smem:$0x3FDB];
	_ =	sdelay $0x1  }
0x99: {  	s4 =	simm.s32 $_scs_section_size  }
0x9a: {  	s5 =	simm.s32 $_size__tile_overlayer_lowered;
	s6 =	simm.s32 $_tile_overlayer_lowered  }
0x9b: {  	s22 =	simm.s32 $0x1BFF;
	s21 =	sshll.u32 s6, $0x1;
	s3 =	sadd.s32 s4, s19  }
0x9c: {  	s7 =	simm.s32 $0x0;
	s20 =	sshll.u32 s5, $0x1;
	s5 =	sadd.s32 s21, s3  }
0x9d: {  	[timem:s7], [sflag:s22] =	dma.local [hbm:s5], s20  }
0x9e: {  	_ =	swait.ge [sflag:s22], s20  }
0x9f: {  	s4 =	ssub.s32 $0x0, s20;
	[sflag:s22] =	ssyncset.done $0x0  }
0xa0: {  	[sflag:s22] =	ssyncadd.s32 s4;
	_ =	sdelay $0x1  }
0xa1: {  	s23 =	simm.s32 $0x1B8B  }
0xa2: {  	_ =	swait.ge [sflag:s23], $0x1  }
0xa3: {  	[sflag:s23] =	ssyncset.done $0x0  }
0xa4: {  	s25 =	simm.s32 $0x1B8E;
	s24 =	sld [smem:$0x3FFE];
	[sflag:s23] =	ssyncadd.s32 $0xFFFFFFFF  }
0xa5: {  	s26 =	simm.s32 $execute0_lowered;
	[smem:$0x3FD2] =	sst s25  }
0xa6: {  	s5 =	sshll.u32 s26, $0x1;
	_ =	strace $0x80000046;
	[dreg:$0x1] =	wrdreg $0xFFFFFFFF  }
0xa7: {  	s28 =	simm.s32 $_size_execute0_lowered;
	s3 =	sadd.s32 s3, s5;
	[dreg:$0x0] =	wrdreg $0x0  }
0xa8: {  	s5 =	sshll.u32 s28, $0x1;
	[dreg:$0x2] =	wrdreg s3  }
0xa9: {  	[dreg:$0x3] =	wrdreg s5  }
0xaa: {  	[dreg:$0x4] =	wrdreg $0xC0  }
0xab: {  	_ =	task [dreg:s7], $0x5FFFF  }
0xac: {  	[dreg:$0x1] =	wrdreg $0xFFFFFFFF  }
0xad: {  	[dreg:$0x0] =	wrdreg $0x60  }
0xae: {  	[dreg:$0x2] =	wrdreg s24  }
0xaf: {  	[dreg:$0x3] =	wrdreg s2  }
0xb0: {  	[dreg:$0x4] =	wrdreg $0xA  }
0xb1: {  	_ =	task.clear_ibuf [dreg:s7], $0x5FFFF;
	_ =	strace $0x90000046  }
0xb2: {  	s29 =	simm.s32 $0xA;
	_ =	strace $0x80000048  }
0xb3: {  	_ =	swait.ge [sflag:s29], $0x1  }
0xb4: {  	[sflag:s29] =	ssyncadd.s32 $0xFFFFFFFF  }
0xb5: {  	_ =	strace $0x90000048  }
0xb6: {  	_ =	sfence  }
0xb7: {  	s30 =	sld [smem:$0x0];
	_ =	sdelay $0x2  }
0xb8: {  	s31 =	sshll.u32 s1, $0xD;
	s1 =	sshrl.u32 s1, $0x2  }
0xb9: {  	s3 =	sand.u32 $0x4000, s31;
	s1 =	sadd.s32 s1, s30  }
0xba: {  	s0 =	sor.u32 s3, s0;
	s1 =	sshll.u32 s1, $0x11  }
0xbb: {  	s0 =	sor.u32 s1, s0  }
0xbc: {  	s0 =	sadd.s32 $0x8F2B, s0  }
0xbd: {  	[sflag:s0] =	ssyncadd.remote.s32 $0x1  }
0xbe: {  	_ =	sfence.sel $0xFFFF  }
0xbf: {  	[dreg:$0x0] =	wrdreg $0xFFFFFFFF;
	(pc) =	sbr.abs _section_cstart, $3  }
0xc0: {  	[dreg:$0x1] =	wrdreg $0xFFFFFFFF  }
0xc1: {  	_ =	task.clear_ibuf [dreg:s7], $0x2FFFF;
	_ =	strace $0x9FFFFFFF  }
0xc2: {  	(tm) =	ssettm $0x7FFFFFFF  }
0xc3: {  	_ =	shalt  }
tec
execute0_lowered:
.L_overlay_start_1:
0x0: {  	(tag) =	ssettag $0x1  }
0x1: {  	s4 =	rddreg [dreg:$0x0]  }
0x2: {  	s2 =	rddreg [dreg:$0x1]  }
0x3: {  	s0 =	rddreg [dreg:$0x2];
	s5 =	srdreg.scid  }
0x4: {  	s1 =	stileid.u32;
	s3 =	simm.s32 $0x0;
	s10 =	simm.s32 $0x100  }
0x5: {  	s11 =	simm.s32 $0xC8;
	s12 =	simm.s32 $0x200;
	s13 =	simm.s32 $0x6600  }
0x6: {  	s14 =	simm.s32 $0x1;
	s15 =	simm.s32 $0x2;
	s6 =	smul.u32 $0x2710, s1  }
0x7: {  	s16 =	simm.s32 $0x0;
	s5 =	sand.u32 $0x1, s5;
	s8 =	smul.u32 $0x27100, s1  }
0x8: {  	[smem:$0x7FF] =	sst s3;
	s7 =	smul.u32 $0x1388, s5;
	s9 =	ssub.s32 $0x2, s5  }
0x9: {  	_ =	strace $0x80000047;
	s5 =	smul.u32 $0x13880, s5;
	s29 =	sshrl.u32 s9, $0x1  }
0xa: {  	s8 =	sadd.s32 s8, s4;
	s6 =	sadd.s32 s7, s6;
	s7 =	ssub.s32 s9, s29  }
0xb: {  	s31 =	sadd.s32 s5, s8;
	s9 =	simm.s32 $0x3;
	s6 =	sshrl.u32 s6, $0x3  }
0xc: {  	s5 =	sadd.s32 $0x16400, s31;
	s30 =	sadd.s32 s6, s4;
	s4 =	smax.u32 s7, $0x1  }
0xd: {  	s6 =	sadd.s32 $0x287400, s31;
	s7 =	sadd.s32 $0xC400, s30;
	s8 =	sadd.s32 $0x2400, s30  }
.LBB2_1:
0xe: {  	s17 =	sadd.s32 $0x0, s8  }
0xf: {  	[tilespmem:s3], [sflag:$0x3] =	stream.linear.gather [hbm4b:s17+s3], $0xC8, $0x38;
	[tilespmem:$0xCA00] =	vst v63  }
0x10: {  	_ =	swait.ge [sflag:s9], $0xC8  }
0x11: {  	[sflag:s9] =	ssyncset.done $0x0  }
0x12: {  	s31 =	sadd.s32 $0x0, s7;
	[sflag:s9] =	ssyncadd.s32 $0xFFFFFF38  }
0x13: {  	[tilespmem:s10], [sflag:$0x3] =	stream.linear.gather [hbm4b:s31+s3], $0xC8, $0x38;
	[tilespmem:$0xCA00] =	vst v63  }
0x14: {  	_ =	swait.ge [sflag:s9], $0xC8  }
0x15: {  	[sflag:s9] =	ssyncset.done $0x0  }
0x16: {  	[sflag:s9] =	ssyncadd.s32 $0xFFFFFF38  }
0x17: {  	[tilespmem:s12], [sflag:$0x1] =	stream.indirect.gather [hbm4b:s2+s11], $0x80, s3, s11, $0xb8;
	[tilespmem:$0xCA00] =	vst v63  }
0x18: {  	_ = 	snop  }
0x19: {  	[tilespmem:s13], [sflag:$0x2] =	stream.indirect.gather [hbm4b:s2+s11], $0x80, s10, s11, $0xb8;
	[tilespmem:$0xCA00] =	vst v63  }
0x1a: {  	_ =	swait.ge [sflag:s14], $0x6400  }
0x1b: {  	[sflag:s14] =	ssyncset.done $0x0  }
0x1c: {  	[sflag:s14] =	ssyncadd.s32 $0xFFFF9C00  }
0x1d: {  	[hbm4b:s5+s3] =	stream.linear.scatter [tilespmem:s12], [sflag:$0x3], $0x6400, $0x38;
	[tilespmem:$0xCA00] =	vst v63  }
0x1e: {  	_ =	swait.ge [sflag:s9], $0x6400  }
0x1f: {  	[sflag:s9] =	ssyncset.done $0x0  }
0x20: {  	[sflag:s9] =	ssyncadd.s32 $0xFFFF9C00  }
0x21: {  	_ =	swait.ge [sflag:s15], $0x6400  }
0x22: {  	[sflag:s15] =	ssyncset.done $0x0  }
0x23: {  	[sflag:s15] =	ssyncadd.s32 $0xFFFF9C00  }
0x24: {  	[hbm4b:s6+s3] =	stream.linear.scatter [tilespmem:s13], [sflag:$0x3], $0x6400, $0x38;
	[tilespmem:$0xCA00] =	vst v63  }
0x25: {  	s19 =	simm.s32 $0x19;
	s20 =	simm.s32 $0x32;
	_ =	swait.ge [sflag:s9], $0x6400  }
0x26: {  	s18 =	sadd.s32 $0xC80, s5;
	s17 =	sadd.s32 $0xC80, s6;
	[sflag:s9] =	ssyncset.done $0x0  }
.LBB2_2:
0x27: {  	s21 =	sadd.s32 s19, s8  }
0x28: {  	[sflag:s9] =	ssyncadd.s32 $0xFFFF9C00;
	s22 =	smov.u32 s20;
	s23 =	sadd.s32 $0x19, s20  }
0x29: {  	[tilespmem:s3], [sflag:$0x3] =	stream.linear.gather [hbm4b:s21+s3], $0xC8, $0x38;
	[tilespmem:$0xCA00] =	vst v63  }
0x2a: {  	p0 =	sne.s32 s20, $0x258;
	_ =	swait.ge [sflag:s9], $0xC8  }
0x2b: {  	[sflag:s9] =	ssyncset.done $0x0  }
0x2c: {  	s20 =	sadd.s32 s19, s7;
	s19 =	smov.u32 s22;
	[sflag:s9] =	ssyncadd.s32 $0xFFFFFF38  }
0x2d: {  	[tilespmem:s10], [sflag:$0x3] =	stream.linear.gather [hbm4b:s20+s3], $0xC8, $0x38;
	[tilespmem:$0xCA00] =	vst v63  }
0x2e: {  	_ =	swait.ge [sflag:s9], $0xC8  }
0x2f: {  	[sflag:s9] =	ssyncset.done $0x0  }
0x30: {  	[sflag:s9] =	ssyncadd.s32 $0xFFFFFF38  }
0x31: {  	[tilespmem:s12], [sflag:$0x1] =	stream.indirect.gather [hbm4b:s2+s11], $0x80, s3, s11, $0xb8;
	[tilespmem:$0xCA00] =	vst v63  }
0x32: {  	_ = 	snop  }
0x33: {  	[tilespmem:s13], [sflag:$0x2] =	stream.indirect.gather [hbm4b:s2+s11], $0x80, s10, s11, $0xb8;
	[tilespmem:$0xCA00] =	vst v63  }
0x34: {  	_ =	swait.ge [sflag:s14], $0x6400  }
0x35: {  	[sflag:s14] =	ssyncset.done $0x0  }
0x36: {  	[sflag:s14] =	ssyncadd.s32 $0xFFFF9C00  }
0x37: {  	[hbm4b:s18+s3] =	stream.linear.scatter [tilespmem:s12], [sflag:$0x3], $0x6400, $0x38;
	[tilespmem:$0xCA00] =	vst v63  }
0x38: {  	_ =	swait.ge [sflag:s9], $0x6400  }
0x39: {  	[sflag:s9] =	ssyncset.done $0x0  }
0x3a: {  	[sflag:s9] =	ssyncadd.s32 $0xFFFF9C00  }
0x3b: {  	_ =	swait.ge [sflag:s15], $0x6400  }
.Ltmp0:
0x3c: {  	[sflag:s15] =	ssyncset.done $0x0;
	(pc) =	sbr.rel @p0 .LBB2_2-.Ltmp0, $4  }
0x3d: {  	[sflag:s15] =	ssyncadd.s32 $0xFFFF9C00  }
0x3e: {  	[hbm4b:s17+s3] =	stream.linear.scatter [tilespmem:s13], [sflag:$0x3], $0x6400, $0x38;
	[tilespmem:$0xCA00] =	vst v63  }
0x3f: {  	s20 =	smov.u32 s23;
	_ =	swait.ge [sflag:s9], $0x6400  }
0x40: {  	s18 =	sadd.s32 $0xC80, s18;
	s17 =	sadd.s32 $0xC80, s17;
	[sflag:s9] =	ssyncset.done $0x0  }
0x41: {  	s20 =	sadd.s32 s19, s8;
	[sflag:s9] =	ssyncadd.s32 $0xFFFF9C00  }
0x42: {  	[tilespmem:s3], [sflag:$0x3] =	stream.linear.gather [hbm4b:s20+s3], $0xC8, $0x38;
	[tilespmem:$0xCA00] =	vst v63  }
0x43: {  	_ =	swait.ge [sflag:s9], $0xC8  }
0x44: {  	[sflag:s9] =	ssyncset.done $0x0  }
0x45: {  	s31 =	sadd.s32 s19, s7;
	[sflag:s9] =	ssyncadd.s32 $0xFFFFFF38  }
0x46: {  	[tilespmem:s10], [sflag:$0x3] =	stream.linear.gather [hbm4b:s31+s3], $0xC8, $0x38;
	[tilespmem:$0xCA00] =	vst v63  }
0x47: {  	_ =	swait.ge [sflag:s9], $0xC8  }
0x48: {  	[sflag:s9] =	ssyncset.done $0x0  }
0x49: {  	[sflag:s9] =	ssyncadd.s32 $0xFFFFFF38  }
0x4a: {  	[tilespmem:s12], [sflag:$0x1] =	stream.indirect.gather [hbm4b:s2+s11], $0x80, s3, s11, $0xb8;
	[tilespmem:$0xCA00] =	vst v63  }
0x4b: {  	_ = 	snop  }
0x4c: {  	[tilespmem:s13], [sflag:$0x2] =	stream.indirect.gather [hbm4b:s2+s11], $0x80, s10, s11, $0xb8;
	[tilespmem:$0xCA00] =	vst v63  }
0x4d: {  	_ =	swait.ge [sflag:s14], $0x6400  }
0x4e: {  	[sflag:s14] =	ssyncset.done $0x0  }
0x4f: {  	[sflag:s14] =	ssyncadd.s32 $0xFFFF9C00  }
0x50: {  	[hbm4b:s18+s3] =	stream.linear.scatter [tilespmem:s12], [sflag:$0x3], $0x6400, $0x38;
	[tilespmem:$0xCA00] =	vst v63  }
0x51: {  	_ =	swait.ge [sflag:s9], $0x6400  }
0x52: {  	[sflag:s9] =	ssyncset.done $0x0  }
0x53: {  	[sflag:s9] =	ssyncadd.s32 $0xFFFF9C00  }
0x54: {  	s16 =	sadd.s32 $0x1, s16;
	_ =	swait.ge [sflag:s15], $0x6400  }
0x55: {  	p0 =	sne.s32 s16, s4;
	[sflag:s15] =	ssyncset.done $0x0  }
.Ltmp1:
0x56: {  	[sflag:s15] =	ssyncadd.s32 $0xFFFF9C00;
	(pc) =	sbr.rel @p0 .LBB2_1-.Ltmp1, $4  }
0x57: {  	[hbm4b:s17+s3] =	stream.linear.scatter [tilespmem:s13], [sflag:$0x3], $0x6400, $0x38;
	[tilespmem:$0xCA00] =	vst v63  }
0x58: {  	_ =	swait.ge [sflag:s9], $0x6400  }
0x59: {  	[sflag:s9] =	ssyncset.done $0x0  }
0x5a: {  	[sflag:s9] =	ssyncadd.s32 $0xFFFF9C00  }
0x5b: {  	_ =	sfence.sel $0x180000  }
0x5c: {  	[bflag:$0x0] =	sbarrier.arrive $0xFFFF  }
0x5d: {  	p0 =	sne.s32 s1, $0x0;
	_ =	strace $0x90000047  }
0x5e: {  	s0 =	sadd.s32 @!p0 $0x100000, s0;
	[bflag:$0x2] =	sbarrier.arrive $0xFFFF  }
0x5f: {  	[sflag:s0] =	ssyncadd.tile.s32 @!p0 $0x1;
	_ =	shalt  }
.Lfunc_end2:
_tile_overlayer_lowered:
.L_overlay_start_2:
0x60: {  	(tag) =	ssettag $0x2  }
0x61: {  	s0 =	rddreg [dreg:$0x0];
	s2 =	stileid.u32  }
0x62: {  	s1 =	rddreg [dreg:$0x1];
	p0 =	sne.s32 s2, $0x0  }
0x63: {  	s3 =	rddreg [dreg:$0x2];
	[bflag:$0x3] =	sbarrier.arrive $0xFFFF;
	s2 =	simm.s32 @!p0 $0x1C03  }
0x64: {  	[timem:s3], [sflag:s2] =	dma.local @!p0 [hbm:s0], s1  }
0x65: {  	s0 =	simm.s32 @!p0 $0x3  }
0x66: {  	_ =	swait.ge @!p0 [sflag:s0], s1  }
0x67: {  	s1 =	ssub.s32 @!p0 $0x0, s1;
	[sflag:s0] =	ssyncset.done @!p0 $0x0  }
0x68: {  	[sflag:s0] =	ssyncadd.s32 @!p0 s1  }
0x69: {  	[bflag:$0x3] =	sbarrier.arrive $0xFFFF  }
0x6a: {  	_ =	shalt  }

</sc_bundles>
